<compile_context>
chip_gen: v7x
topology: tpu7x:2x2x1
jax: 0.10.2.dev20260603
libtpu: 0.0.44.dev20260713+nightly
codegen_flags: <defaults>
</compile_context>

<pallas_src>
import functools

import jax
import jax.numpy as jnp
from jax import lax
from jax.experimental import pallas as pl
from jax.experimental.pallas import tpu as pltpu
from jax.experimental.pallas import tpu_sc as plsc

_P = 5
_PR = _P // 2

_B, _C, _H, _W = 2, 96, 64, 128
_NC, _NS, _L = 2, 16, 16
_NW = _NC * _NS
_IMG = _H * _W

_SC_IMGS = 32
_TC_IMGS = _B * _C - _SC_IMGS



def _tc_body(x_ref, out_ref):
    x = x_ref[...]
    h = x.shape[1]
    row = jax.lax.broadcasted_iota(jnp.int32, (1, h, 1), 1)
    acc = jnp.zeros_like(x)
    nvalid = jnp.zeros((1, h, 1), dtype=x.dtype)
    for off in range(-_PR, _PR + 1):
        m = row + off
        ok = jnp.logical_and(m >= _PR, m <= h - 1 - _PR)
        acc = acc + jnp.where(ok, x, 0.0)
        nvalid = nvalid + ok.astype(x.dtype)
    acc = acc * jnp.array(_P, x.dtype)
    counting = nvalid * jnp.array(_P, x.dtype)
    out_ref[...] = acc / counting


def _tc_kernel(xtc):
    n = xtc.shape[0]
    bc_block = n // 2
    return pl.pallas_call(
        _tc_body,
        grid=(n // bc_block,),
        in_specs=[pl.BlockSpec((bc_block, _H, _W), lambda i: (i, 0, 0))],
        out_specs=pl.BlockSpec((bc_block, _H, _W), lambda i: (i, 0, 0)),
        out_shape=jax.ShapeDtypeStruct((n, _H, _W), jnp.float32),
    )(xtc)



_SC_TOTAL = _SC_IMGS * _IMG
_SC_CHUNK = _SC_TOTAL // _NW


def _sc_body(x_hbm, out_hbm, buf):
    wid = lax.axis_index("s") * _NC + lax.axis_index("c")
    base = wid * _SC_CHUNK
    pltpu.sync_copy(x_hbm.at[pl.ds(base, _SC_CHUNK)], buf)

    def step(i, carry):
        l = (i % (_IMG // _L)) // (_W // _L)
        v = buf[pl.ds(i * _L, _L)]
        acc = jnp.zeros((_L,), jnp.float32)
        nvalid = jnp.float32(0)
        for off in range(-_PR, _PR + 1):
            m = l + off
            ok = jnp.logical_and(m >= _PR, m <= _H - 1 - _PR)
            okf = ok.astype(jnp.float32)
            acc = acc + v * okf
            nvalid = nvalid + okf
        buf[pl.ds(i * _L, _L)] = acc * _P / (nvalid * _P)
        return carry

    lax.fori_loop(0, _SC_CHUNK // _L, step, 0, unroll=8)
    pltpu.sync_copy(buf, out_hbm.at[pl.ds(base, _SC_CHUNK)])


def _sc_kernel(xsc):
    run = pl.kernel(
        _sc_body,
        out_type=jax.ShapeDtypeStruct((_SC_TOTAL,), jnp.float32),
        scratch_types=[pltpu.VMEM((_SC_CHUNK,), jnp.float32)],
        mesh=plsc.VectorSubcoreMesh(core_axis_name="c", subcore_axis_name="s"),
    )
    return run(xsc)


def kernel(x):
    B, C, H, W = x.shape
    xf = x.reshape(B * C, H, W)
    out_tc = _tc_kernel(xf[:_TC_IMGS])
    out_sc = _sc_kernel(xf[_TC_IMGS:].reshape(_SC_TOTAL))
    out = jnp.concatenate([out_tc, out_sc.reshape(_SC_IMGS, H, W)], axis=0)
    return out.reshape(B, C, H, W)

# --- scband reference (transcript-rebuilt; emitter-appended) ---
"""Pipeline reference for scband-auto-patch-over-lap-model2-d-56650618634547 (READ-ONLY COPY).

The authoritative reference and input builder live on the scoring server;
editing this copy changes nothing except your own understanding.
"""

import jax, jax.numpy as jnp
import numpy as np

PATCH_RANGE = 5


def setup_inputs(seed: int = 0) -> dict:
    key = jax.random.key(seed)
    x = jax.random.normal(key, (2, 96, 64, 128), dtype=jnp.float32)
    return {"x": x}


def _around_index(patch_range, img_shape):
    # Reconstruction of get_center_around_indexes: centers are interior rows
    # (no wrap at poles, height dim) and all columns (circular wrap, width dim).
    H, W = img_shape
    pr = patch_range // 2
    h_centers = np.arange(pr, H - pr)
    w_centers = np.arange(W)
    dh = np.arange(patch_range) - pr
    dw = np.arange(patch_range) - pr
    rows = h_centers[:, None, None, None] + dh[None, None, :, None]
    cols = (w_centers[None, :, None, None] + dw[None, None, None, :]) % W
    rows = np.broadcast_to(rows, (len(h_centers), W, patch_range, patch_range))
    cols = np.broadcast_to(cols, (len(h_centers), W, patch_range, patch_range))
    return rows, cols


def _forward(x):
    B, C, H, Wd = x.shape
    P = PATCH_RANGE
    # ---- image_to_patches ----
    rows, cols = _around_index(P, (H, Wd))
    p = x[:, :, rows, cols]                     # [B, C, H-4, W, P, P]
    p = jnp.transpose(p, (0, 2, 3, 1, 4, 5))    # [B, H-4, W, C, P, P]
    Bn, Wn, Hn, Pn = p.shape[0], p.shape[1], p.shape[2], p.shape[3]
    flat = p.reshape(Bn * Wn * Hn, Pn, P, P)    # patches fed to inner model (identity here)
    # ---- patches_to_image (overlap-add + counting normalization) ----
    xx = flat.reshape(Bn, Wn, Hn, Pn, P, P)
    L = Wn + 4
    xx = jnp.pad(xx, ((0, 0), (2, 2), (0, 0), (0, 0), (0, 0), (0, 0)))
    counting = np.ones((L, Hn), dtype=np.float32)
    counting[0] *= 5
    counting[1] *= 10
    counting[2] *= 15
    counting[3] *= 20
    counting[4:Wn] *= 25
    counting[Wn] *= 20
    counting[Wn + 1] *= 15
    counting[Wn + 2] *= 10
    counting[Wn + 3] *= 5
    counting = jnp.asarray(counting)[None, None]
    w_idx = np.arange(0, L)
    wes = np.stack([w_idx, w_idx + 1, w_idx + 2, w_idx - 1, w_idx - 2], 1) % L
    yes = np.array([[2, 1, 0, 3, 4]])
    x_idx = np.arange(Hn)
    xes = np.stack([x_idx, x_idx + 1, x_idx + 2, x_idx - 1, x_idx - 2], 1) % Hn
    t = xx[:, wes, :, :, yes, :].sum(1)   # [L, B, Hn, Pn, P]
    t = t[:, :, xes, :, yes].sum(1)       # [Hn, L, B, Pn]
    t = jnp.transpose(t, (2, 3, 1, 0))    # [B, Pn, L, Hn]
    return t / counting


def reference(x):
    return _forward(x)

if __name__ == "__main__":
    import jax
    _d = setup_inputs()
    print(jax.jit(kernel)(*tuple(_d.values())))

</pallas_src>

<mosaic_0001>
#map = affine_map<(d0, d1) -> (0)>
module attributes {stable_mosaic.version = 14 : i64} {
  func.func @_sc_body(%arg0: i32, %arg1: i32, %arg2: memref<262144xf32, #tpu.memory_space<hbm>>, %arg3: memref<262144xf32, #tpu.memory_space<hbm>>, %arg4: memref<8192xf32, #tpu.memory_space<vmem>>) attributes {dimension_semantics = [#tpu.dimension_semantics<core_parallel>, #tpu.dimension_semantics<subcore_parallel>], iteration_bounds = array<i64: 2, 16>, scalar_prefetch = 0 : i64, scratch_operands = 1 : i64, tpu.core_type = #tpu.core_type<sc_vector_subcore>, window_params = [{transform_indices = #map}, {transform_indices = #map}]} {
    %mul3A = arith.constant 2 : i32
    %mul3A_0 = arith.muli %arg1, %mul3A : i32
    %add3A = arith.addi %mul3A_0, %arg0 : i32
    %mul3A_1 = arith.constant 8192 : i32
    %mul3A_2 = arith.muli %add3A, %mul3A_1 : i32
    "tpu.region"() ({
      %run_scoped3A = tpu.sem_alloc : memref<!tpu.dma_semaphore, #tpu.memory_space<semaphore_mem>>
      %dma_start3A = tpu.memref_slice %arg2[%mul3A_2] : memref<262144xf32, #tpu.memory_space<hbm>> -> memref<8192xf32, #tpu.memory_space<hbm>>
      %dma_start3A_8 = tpu.memref_slice %arg2[%mul3A_2] : memref<262144xf32, #tpu.memory_space<hbm>> -> memref<8192xf32, #tpu.memory_space<hbm>>
      tpu.enqueue_dma source(%dma_start3A_8 : memref<8192xf32, #tpu.memory_space<hbm>>) target(%arg4 : memref<8192xf32, #tpu.memory_space<vmem>>) target_semaphore(%run_scoped3A : memref<!tpu.dma_semaphore, #tpu.memory_space<semaphore_mem>>)
      %dma_wait3A = tpu.memref_slice %arg2[%mul3A_2] : memref<262144xf32, #tpu.memory_space<hbm>> -> memref<8192xf32, #tpu.memory_space<hbm>>
      %dma_wait3A_9 = tpu.memref_slice %arg2[%mul3A_2] : memref<262144xf32, #tpu.memory_space<hbm>> -> memref<8192xf32, #tpu.memory_space<hbm>>
      tpu.wait_dma2 semaphore(%run_scoped3A : memref<!tpu.dma_semaphore, #tpu.memory_space<semaphore_mem>>) src(%dma_wait3A_9 : memref<8192xf32, #tpu.memory_space<hbm>>) dst(%arg4 : memref<8192xf32, #tpu.memory_space<vmem>>)
      tpu.yield
    }) : () -> ()
    %scan3A = arith.constant 0 : i32
    %scan3A_3 = arith.constant 0 : i32
    %scan3A_4 = arith.constant 512 : i32
    %scan3A_5 = arith.addi %scan3A_3, %scan3A_4 : i32
    %scan3A_6 = arith.constant 8 : i32
    scf.for %scan3A_8 = %scan3A_3 to %scan3A_5 step %scan3A_6  : i32 {
      %jit3A = arith.constant 512 : i32
      %eq3A = arith.constant 0 : i32
      %eq3A_9 = arith.cmpi eq, %jit3A, %eq3A : i32
      %jit3A_10 = arith.constant 1 : i32
      %select_n3A = arith.select %eq3A_9, %jit3A_10, %jit3A : i32
      %rem3A = arith.remsi %scan3A_8, %select_n3A : i32
      %ne3A = arith.constant 0 : i32
      %ne3A_11 = arith.cmpi ne, %rem3A, %ne3A : i32
      %lt3A = arith.constant 0 : i32
      %lt3A_12 = arith.cmpi slt, %rem3A, %lt3A : i32
      %lt3A_13 = arith.constant 0 : i32
      %lt3A_14 = arith.cmpi slt, %select_n3A, %lt3A_13 : i32
      %ne3A_15 = arith.xori %lt3A_12, %lt3A_14 : i1
      %and3A = arith.andi %ne3A_15, %ne3A_11 : i1
      %add3A_16 = arith.addi %rem3A, %select_n3A : i32
      %select_n3A_17 = arith.select %and3A, %add3A_16, %rem3A : i32
      %jit3A_18 = arith.constant 8 : i32
      %div3A = arith.divsi %select_n3A_17, %jit3A_18 : i32
      %sign3A = arith.constant 0 : i32
      %sign3A_19 = arith.cmpi sgt, %select_n3A_17, %sign3A : i32
      %sign3A_20 = arith.extui %sign3A_19 : i1 to i32
      %sign3A_21 = arith.constant 0 : i32
      %sign3A_22 = arith.cmpi slt, %select_n3A_17, %sign3A_21 : i32
      %sign3A_23 = arith.extui %sign3A_22 : i1 to i32
      %sign3A_24 = arith.subi %sign3A_20, %sign3A_23 : i32
      %sign3A_25 = arith.constant 0 : i32
      %sign3A_26 = arith.cmpi sgt, %jit3A_18, %sign3A_25 : i32
      %sign3A_27 = arith.extui %sign3A_26 : i1 to i32
      %sign3A_28 = arith.constant 0 : i32
      %sign3A_29 = arith.cmpi slt, %jit3A_18, %sign3A_28 : i32
      %sign3A_30 = arith.extui %sign3A_29 : i1 to i32
      %sign3A_31 = arith.subi %sign3A_27, %sign3A_30 : i32
      %ne3A_32 = arith.cmpi ne, %sign3A_24, %sign3A_31 : i32
      %rem3A_33 = arith.remsi %select_n3A_17, %jit3A_18 : i32
      %ne3A_34 = arith.constant 0 : i32
      %ne3A_35 = arith.cmpi ne, %rem3A_33, %ne3A_34 : i32
      %and3A_36 = arith.andi %ne3A_32, %ne3A_35 : i1
      %sub3A = arith.constant 1 : i32
      %sub3A_37 = arith.subi %div3A, %sub3A : i32
      %select_n3A_38 = arith.select %and3A_36, %sub3A_37, %div3A : i32
      %mul3A_39 = arith.constant 16 : i32
      %mul3A_40 = arith.muli %scan3A_8, %mul3A_39 : i32
      %get3A = arith.index_cast %mul3A_40 : i32 to index
      %get3A_41 = tpu.vector_load %arg4[%get3A] {strides = array<i32>} : memref<8192xf32, #tpu.memory_space<vmem>>, vector<16xf32>,
      %get3A_42 = vector.shape_cast %get3A_41 : vector<16xf32> to vector<16xf32>
      %broadcast_in_dim3A = arith.constant 0.000000e+00 : f32
      %broadcast_in_dim3A_43 = vector.broadcast %broadcast_in_dim3A : f32 to vector<16xf32>
      %add3A_44 = arith.constant -2 : i32
      %add3A_45 = arith.addi %select_n3A_38, %add3A_44 : i32
      %ge3A = arith.constant 2 : i32
      %ge3A_46 = arith.cmpi sge, %add3A_45, %ge3A : i32
      %le3A = arith.constant 61 : i32
      %le3A_47 = arith.cmpi sle, %add3A_45, %le3A : i32
      %and3A_48 = arith.andi %ge3A_46, %le3A_47 : i1
      %convert_element_type3A = arith.extui %and3A_48 : i1 to i32
      %convert_element_type3A_49 = arith.sitofp %convert_element_type3A : i32 to f32
      %mul3A_50 = vector.broadcast %convert_element_type3A_49 : f32 to vector<16xf32>
      %mul3A_51 = arith.mulf %get3A_42, %mul3A_50 : vector<16xf32>
      %add3A_52 = arith.addf %broadcast_in_dim3A_43, %mul3A_51 : vector<16xf32>
      %add3A_53 = arith.constant 0.000000e+00 : f32
      %add3A_54 = arith.addf %add3A_53, %convert_element_type3A_49 : f32
      %add3A_55 = arith.constant -1 : i32
      %add3A_56 = arith.addi %select_n3A_38, %add3A_55 : i32
      %ge3A_57 = arith.constant 2 : i32
      %ge3A_58 = arith.cmpi sge, %add3A_56, %ge3A_57 : i32
      %le3A_59 = arith.constant 61 : i32
      %le3A_60 = arith.cmpi sle, %add3A_56, %le3A_59 : i32
      %and3A_61 = arith.andi %ge3A_58, %le3A_60 : i1
      %convert_element_type3A_62 = arith.extui %and3A_61 : i1 to i32
      %convert_element_type3A_63 = arith.sitofp %convert_element_type3A_62 : i32 to f32
      %mul3A_64 = vector.broadcast %convert_element_type3A_63 : f32 to vector<16xf32>
      %mul3A_65 = arith.mulf %get3A_42, %mul3A_64 : vector<16xf32>
      %add3A_66 = arith.addf %add3A_52, %mul3A_65 : vector<16xf32>
      %add3A_67 = arith.addf %add3A_54, %convert_element_type3A_63 : f32
      %add3A_68 = arith.constant 0 : i32
      %add3A_69 = arith.addi %select_n3A_38, %add3A_68 : i32
      %ge3A_70 = arith.constant 2 : i32
      %ge3A_71 = arith.cmpi sge, %add3A_69, %ge3A_70 : i32
      %le3A_72 = arith.constant 61 : i32
      %le3A_73 = arith.cmpi sle, %add3A_69, %le3A_72 : i32
      %and3A_74 = arith.andi %ge3A_71, %le3A_73 : i1
      %convert_element_type3A_75 = arith.extui %and3A_74 : i1 to i32
      %convert_element_type3A_76 = arith.sitofp %convert_element_type3A_75 : i32 to f32
      %mul3A_77 = vector.broadcast %convert_element_type3A_76 : f32 to vector<16xf32>
      %mul3A_78 = arith.mulf %get3A_42, %mul3A_77 : vector<16xf32>
      %add3A_79 = arith.addf %add3A_66, %mul3A_78 : vector<16xf32>
      %add3A_80 = arith.addf %add3A_67, %convert_element_type3A_76 : f32
      %add3A_81 = arith.constant 1 : i32
      %add3A_82 = arith.addi %select_n3A_38, %add3A_81 : i32
      %ge3A_83 = arith.constant 2 : i32
      %ge3A_84 = arith.cmpi sge, %add3A_82, %ge3A_83 : i32
      %le3A_85 = arith.constant 61 : i32
      %le3A_86 = arith.cmpi sle, %add3A_82, %le3A_85 : i32
      %and3A_87 = arith.andi %ge3A_84, %le3A_86 : i1
      %convert_element_type3A_88 = arith.extui %and3A_87 : i1 to i32
      %convert_element_type3A_89 = arith.sitofp %convert_element_type3A_88 : i32 to f32
      %mul3A_90 = vector.broadcast %convert_element_type3A_89 : f32 to vector<16xf32>
      %mul3A_91 = arith.mulf %get3A_42, %mul3A_90 : vector<16xf32>
      %add3A_92 = arith.addf %add3A_79, %mul3A_91 : vector<16xf32>
      %add3A_93 = arith.addf %add3A_80, %convert_element_type3A_89 : f32
      %add3A_94 = arith.constant 2 : i32
      %add3A_95 = arith.addi %select_n3A_38, %add3A_94 : i32
      %ge3A_96 = arith.constant 2 : i32
      %ge3A_97 = arith.cmpi sge, %add3A_95, %ge3A_96 : i32
      %le3A_98 = arith.constant 61 : i32
      %le3A_99 = arith.cmpi sle, %add3A_95, %le3A_98 : i32
      %and3A_100 = arith.andi %ge3A_97, %le3A_99 : i1
      %convert_element_type3A_101 = arith.extui %and3A_100 : i1 to i32
      %convert_element_type3A_102 = arith.sitofp %convert_element_type3A_101 : i32 to f32
      %mul3A_103 = vector.broadcast %convert_element_type3A_102 : f32 to vector<16xf32>
      %mul3A_104 = arith.mulf %get3A_42, %mul3A_103 : vector<16xf32>
      %add3A_105 = arith.addf %add3A_92, %mul3A_104 : vector<16xf32>
      %add3A_106 = arith.addf %add3A_93, %convert_element_type3A_102 : f32
      %mul3A_107 = arith.constant 5.000000e+00 : f32
      %mul3A_108 = vector.broadcast %mul3A_107 : f32 to vector<16xf32>
      %mul3A_109 = arith.mulf %add3A_105, %mul3A_108 : vector<16xf32>
      %mul3A_110 = arith.constant 5.000000e+00 : f32
      %mul3A_111 = arith.mulf %add3A_106, %mul3A_110 : f32
      %div3A_112 = vector.broadcast %mul3A_111 : f32 to vector<16xf32>
      %div3A_113 = arith.divf %mul3A_109, %div3A_112 : vector<16xf32>
      %mul3A_114 = arith.constant 16 : i32
      %mul3A_115 = arith.muli %scan3A_8, %mul3A_114 : i32
      %swap3A = arith.index_cast %mul3A_115 : i32 to index
      %swap3A_116 = tpu.vector_load %arg4[%swap3A] {strides = array<i32>} : memref<8192xf32, #tpu.memory_space<vmem>>, vector<16xf32>,
      %swap3A_117 = vector.shape_cast %swap3A_116 : vector<16xf32> to vector<16xf32>
      %swap3A_118 = vector.shape_cast %div3A_113 : vector<16xf32> to vector<16xf32>
      tpu.vector_store %arg4[%swap3A], %swap3A_118 {strides = array<i32>} : memref<8192xf32, #tpu.memory_space<vmem>>, vector<16xf32>,
      %scan3A_119 = arith.constant 1 : i32
      %scan3A_120 = arith.addi %scan3A_8, %scan3A_119 : i32
      %jit3A_121 = arith.constant 512 : i32
      %eq3A_122 = arith.constant 0 : i32
      %eq3A_123 = arith.cmpi eq, %jit3A_121, %eq3A_122 : i32
      %jit3A_124 = arith.constant 1 : i32
      %select_n3A_125 = arith.select %eq3A_123, %jit3A_124, %jit3A_121 : i32
      %rem3A_126 = arith.remsi %scan3A_120, %select_n3A_125 : i32
      %ne3A_127 = arith.constant 0 : i32
      %ne3A_128 = arith.cmpi ne, %rem3A_126, %ne3A_127 : i32
      %lt3A_129 = arith.constant 0 : i32
      %lt3A_130 = arith.cmpi slt, %rem3A_126, %lt3A_129 : i32
      %lt3A_131 = arith.constant 0 : i32
      %lt3A_132 = arith.cmpi slt, %select_n3A_125, %lt3A_131 : i32
      %ne3A_133 = arith.xori %lt3A_130, %lt3A_132 : i1
      %and3A_134 = arith.andi %ne3A_133, %ne3A_128 : i1
      %add3A_135 = arith.addi %rem3A_126, %select_n3A_125 : i32
      %select_n3A_136 = arith.select %and3A_134, %add3A_135, %rem3A_126 : i32
      %jit3A_137 = arith.constant 8 : i32
      %div3A_138 = arith.divsi %select_n3A_136, %jit3A_137 : i32
      %sign3A_139 = arith.constant 0 : i32
      %sign3A_140 = arith.cmpi sgt, %select_n3A_136, %sign3A_139 : i32
      %sign3A_141 = arith.extui %sign3A_140 : i1 to i32
      %sign3A_142 = arith.constant 0 : i32
      %sign3A_143 = arith.cmpi slt, %select_n3A_136, %sign3A_142 : i32
      %sign3A_144 = arith.extui %sign3A_143 : i1 to i32
      %sign3A_145 = arith.subi %sign3A_141, %sign3A_144 : i32
      %sign3A_146 = arith.constant 0 : i32
      %sign3A_147 = arith.cmpi sgt, %jit3A_137, %sign3A_146 : i32
      %sign3A_148 = arith.extui %sign3A_147 : i1 to i32
      %sign3A_149 = arith.constant 0 : i32
      %sign3A_150 = arith.cmpi slt, %jit3A_137, %sign3A_149 : i32
      %sign3A_151 = arith.extui %sign3A_150 : i1 to i32
      %sign3A_152 = arith.subi %sign3A_148, %sign3A_151 : i32
      %ne3A_153 = arith.cmpi ne, %sign3A_145, %sign3A_152 : i32
      %rem3A_154 = arith.remsi %select_n3A_136, %jit3A_137 : i32
      %ne3A_155 = arith.constant 0 : i32
      %ne3A_156 = arith.cmpi ne, %rem3A_154, %ne3A_155 : i32
      %and3A_157 = arith.andi %ne3A_153, %ne3A_156 : i1
      %sub3A_158 = arith.constant 1 : i32
      %sub3A_159 = arith.subi %div3A_138, %sub3A_158 : i32
      %select_n3A_160 = arith.select %and3A_157, %sub3A_159, %div3A_138 : i32
      %mul3A_161 = arith.constant 16 : i32
      %mul3A_162 = arith.muli %scan3A_120, %mul3A_161 : i32
      %get3A_163 = arith.index_cast %mul3A_162 : i32 to index
      %get3A_164 = tpu.vector_load %arg4[%get3A_163] {strides = array<i32>} : memref<8192xf32, #tpu.memory_space<vmem>>, vector<16xf32>,
      %get3A_165 = vector.shape_cast %get3A_164 : vector<16xf32> to vector<16xf32>
      %broadcast_in_dim3A_166 = arith.constant 0.000000e+00 : f32
      %broadcast_in_dim3A_167 = vector.broadcast %broadcast_in_dim3A_166 : f32 to vector<16xf32>
      %add3A_168 = arith.constant -2 : i32
      %add3A_169 = arith.addi %select_n3A_160, %add3A_168 : i32
      %ge3A_170 = arith.constant 2 : i32
      %ge3A_171 = arith.cmpi sge, %add3A_169, %ge3A_170 : i32
      %le3A_172 = arith.constant 61 : i32
      %le3A_173 = arith.cmpi sle, %add3A_169, %le3A_172 : i32
      %and3A_174 = arith.andi %ge3A_171, %le3A_173 : i1
      %convert_element_type3A_175 = arith.extui %and3A_174 : i1 to i32
      %convert_element_type3A_176 = arith.sitofp %convert_element_type3A_175 : i32 to f32
      %mul3A_177 = vector.broadcast %convert_element_type3A_176 : f32 to vector<16xf32>
      %mul3A_178 = arith.mulf %get3A_165, %mul3A_177 : vector<16xf32>
      %add3A_179 = arith.addf %broadcast_in_dim3A_167, %mul3A_178 : vector<16xf32>
      %add3A_180 = arith.constant 0.000000e+00 : f32
      %add3A_181 = arith.addf %add3A_180, %convert_element_type3A_176 : f32
      %add3A_182 = arith.constant -1 : i32
      %add3A_183 = arith.addi %select_n3A_160, %add3A_182 : i32
      %ge3A_184 = arith.constant 2 : i32
      %ge3A_185 = arith.cmpi sge, %add3A_183, %ge3A_184 : i32
      %le3A_186 = arith.constant 61 : i32
      %le3A_187 = arith.cmpi sle, %add3A_183, %le3A_186 : i32
      %and3A_188 = arith.andi %ge3A_185, %le3A_187 : i1
      %convert_element_type3A_189 = arith.extui %and3A_188 : i1 to i32
      %convert_element_type3A_190 = arith.sitofp %convert_element_type3A_189 : i32 to f32
      %mul3A_191 = vector.broadcast %convert_element_type3A_190 : f32 to vector<16xf32>
      %mul3A_192 = arith.mulf %get3A_165, %mul3A_191 : vector<16xf32>
      %add3A_193 = arith.addf %add3A_179, %mul3A_192 : vector<16xf32>
      %add3A_194 = arith.addf %add3A_181, %convert_element_type3A_190 : f32
      %add3A_195 = arith.constant 0 : i32
      %add3A_196 = arith.addi %select_n3A_160, %add3A_195 : i32
      %ge3A_197 = arith.constant 2 : i32
      %ge3A_198 = arith.cmpi sge, %add3A_196, %ge3A_197 : i32
      %le3A_199 = arith.constant 61 : i32
      %le3A_200 = arith.cmpi sle, %add3A_196, %le3A_199 : i32
      %and3A_201 = arith.andi %ge3A_198, %le3A_200 : i1
      %convert_element_type3A_202 = arith.extui %and3A_201 : i1 to i32
      %convert_element_type3A_203 = arith.sitofp %convert_element_type3A_202 : i32 to f32
      %mul3A_204 = vector.broadcast %convert_element_type3A_203 : f32 to vector<16xf32>
      %mul3A_205 = arith.mulf %get3A_165, %mul3A_204 : vector<16xf32>
      %add3A_206 = arith.addf %add3A_193, %mul3A_205 : vector<16xf32>
      %add3A_207 = arith.addf %add3A_194, %convert_element_type3A_203 : f32
      %add3A_208 = arith.constant 1 : i32
      %add3A_209 = arith.addi %select_n3A_160, %add3A_208 : i32
      %ge3A_210 = arith.constant 2 : i32
      %ge3A_211 = arith.cmpi sge, %add3A_209, %ge3A_210 : i32
      %le3A_212 = arith.constant 61 : i32
      %le3A_213 = arith.cmpi sle, %add3A_209, %le3A_212 : i32
      %and3A_214 = arith.andi %ge3A_211, %le3A_213 : i1
      %convert_element_type3A_215 = arith.extui %and3A_214 : i1 to i32
      %convert_element_type3A_216 = arith.sitofp %convert_element_type3A_215 : i32 to f32
      %mul3A_217 = vector.broadcast %convert_element_type3A_216 : f32 to vector<16xf32>
      %mul3A_218 = arith.mulf %get3A_165, %mul3A_217 : vector<16xf32>
      %add3A_219 = arith.addf %add3A_206, %mul3A_218 : vector<16xf32>
      %add3A_220 = arith.addf %add3A_207, %convert_element_type3A_216 : f32
      %add3A_221 = arith.constant 2 : i32
      %add3A_222 = arith.addi %select_n3A_160, %add3A_221 : i32
      %ge3A_223 = arith.constant 2 : i32
      %ge3A_224 = arith.cmpi sge, %add3A_222, %ge3A_223 : i32
      %le3A_225 = arith.constant 61 : i32
      %le3A_226 = arith.cmpi sle, %add3A_222, %le3A_225 : i32
      %and3A_227 = arith.andi %ge3A_224, %le3A_226 : i1
      %convert_element_type3A_228 = arith.extui %and3A_227 : i1 to i32
      %convert_element_type3A_229 = arith.sitofp %convert_element_type3A_228 : i32 to f32
      %mul3A_230 = vector.broadcast %convert_element_type3A_229 : f32 to vector<16xf32>
      %mul3A_231 = arith.mulf %get3A_165, %mul3A_230 : vector<16xf32>
      %add3A_232 = arith.addf %add3A_219, %mul3A_231 : vector<16xf32>
      %add3A_233 = arith.addf %add3A_220, %convert_element_type3A_229 : f32
      %mul3A_234 = arith.constant 5.000000e+00 : f32
      %mul3A_235 = vector.broadcast %mul3A_234 : f32 to vector<16xf32>
      %mul3A_236 = arith.mulf %add3A_232, %mul3A_235 : vector<16xf32>
      %mul3A_237 = arith.constant 5.000000e+00 : f32
      %mul3A_238 = arith.mulf %add3A_233, %mul3A_237 : f32
      %div3A_239 = vector.broadcast %mul3A_238 : f32 to vector<16xf32>
      %div3A_240 = arith.divf %mul3A_236, %div3A_239 : vector<16xf32>
      %mul3A_241 = arith.constant 16 : i32
      %mul3A_242 = arith.muli %scan3A_120, %mul3A_241 : i32
      %swap3A_243 = arith.index_cast %mul3A_242 : i32 to index
      %swap3A_244 = tpu.vector_load %arg4[%swap3A_243] {strides = array<i32>} : memref<8192xf32, #tpu.memory_space<vmem>>, vector<16xf32>,
      %swap3A_245 = vector.shape_cast %swap3A_244 : vector<16xf32> to vector<16xf32>
      %swap3A_246 = vector.shape_cast %div3A_240 : vector<16xf32> to vector<16xf32>
      tpu.vector_store %arg4[%swap3A_243], %swap3A_246 {strides = array<i32>} : memref<8192xf32, #tpu.memory_space<vmem>>, vector<16xf32>,
      %scan3A_247 = arith.constant 2 : i32
      %scan3A_248 = arith.addi %scan3A_8, %scan3A_247 : i32
      %jit3A_249 = arith.constant 512 : i32
      %eq3A_250 = arith.constant 0 : i32
      %eq3A_251 = arith.cmpi eq, %jit3A_249, %eq3A_250 : i32
      %jit3A_252 = arith.constant 1 : i32
      %select_n3A_253 = arith.select %eq3A_251, %jit3A_252, %jit3A_249 : i32
      %rem3A_254 = arith.remsi %scan3A_248, %select_n3A_253 : i32
      %ne3A_255 = arith.constant 0 : i32
      %ne3A_256 = arith.cmpi ne, %rem3A_254, %ne3A_255 : i32
      %lt3A_257 = arith.constant 0 : i32
      %lt3A_258 = arith.cmpi slt, %rem3A_254, %lt3A_257 : i32
      %lt3A_259 = arith.constant 0 : i32
      %lt3A_260 = arith.cmpi slt, %select_n3A_253, %lt3A_259 : i32
      %ne3A_261 = arith.xori %lt3A_258, %lt3A_260 : i1
      %and3A_262 = arith.andi %ne3A_261, %ne3A_256 : i1
      %add3A_263 = arith.addi %rem3A_254, %select_n3A_253 : i32
      %select_n3A_264 = arith.select %and3A_262, %add3A_263, %rem3A_254 : i32
      %jit3A_265 = arith.constant 8 : i32
      %div3A_266 = arith.divsi %select_n3A_264, %jit3A_265 : i32
      %sign3A_267 = arith.constant 0 : i32
      %sign3A_268 = arith.cmpi sgt, %select_n3A_264, %sign3A_267 : i32
      %sign3A_269 = arith.extui %sign3A_268 : i1 to i32
      %sign3A_270 = arith.constant 0 : i32
      %sign3A_271 = arith.cmpi slt, %select_n3A_264, %sign3A_270 : i32
      %sign3A_272 = arith.extui %sign3A_271 : i1 to i32
      %sign3A_273 = arith.subi %sign3A_269, %sign3A_272 : i32
      %sign3A_274 = arith.constant 0 : i32
      %sign3A_275 = arith.cmpi sgt, %jit3A_265, %sign3A_274 : i32
      %sign3A_276 = arith.extui %sign3A_275 : i1 to i32
      %sign3A_277 = arith.constant 0 : i32
      %sign3A_278 = arith.cmpi slt, %jit3A_265, %sign3A_277 : i32
      %sign3A_279 = arith.extui %sign3A_278 : i1 to i32
      %sign3A_280 = arith.subi %sign3A_276, %sign3A_279 : i32
      %ne3A_281 = arith.cmpi ne, %sign3A_273, %sign3A_280 : i32
      %rem3A_282 = arith.remsi %select_n3A_264, %jit3A_265 : i32
      %ne3A_283 = arith.constant 0 : i32
      %ne3A_284 = arith.cmpi ne, %rem3A_282, %ne3A_283 : i32
      %and3A_285 = arith.andi %ne3A_281, %ne3A_284 : i1
      %sub3A_286 = arith.constant 1 : i32
      %sub3A_287 = arith.subi %div3A_266, %sub3A_286 : i32
      %select_n3A_288 = arith.select %and3A_285, %sub3A_287, %div3A_266 : i32
      %mul3A_289 = arith.constant 16 : i32
      %mul3A_290 = arith.muli %scan3A_248, %mul3A_289 : i32
      %get3A_291 = arith.index_cast %mul3A_290 : i32 to index
      %get3A_292 = tpu.vector_load %arg4[%get3A_291] {strides = array<i32>} : memref<8192xf32, #tpu.memory_space<vmem>>, vector<16xf32>,
      %get3A_293 = vector.shape_cast %get3A_292 : vector<16xf32> to vector<16xf32>
      %broadcast_in_dim3A_294 = arith.constant 0.000000e+00 : f32
      %broadcast_in_dim3A_295 = vector.broadcast %broadcast_in_dim3A_294 : f32 to vector<16xf32>
      %add3A_296 = arith.constant -2 : i32
      %add3A_297 = arith.addi %select_n3A_288, %add3A_296 : i32
      %ge3A_298 = arith.constant 2 : i32
      %ge3A_299 = arith.cmpi sge, %add3A_297, %ge3A_298 : i32
      %le3A_300 = arith.constant 61 : i32
      %le3A_301 = arith.cmpi sle, %add3A_297, %le3A_300 : i32
      %and3A_302 = arith.andi %ge3A_299, %le3A_301 : i1
      %convert_element_type3A_303 = arith.extui %and3A_302 : i1 to i32
      %convert_element_type3A_304 = arith.sitofp %convert_element_type3A_303 : i32 to f32
      %mul3A_305 = vector.broadcast %convert_element_type3A_304 : f32 to vector<16xf32>
      %mul3A_306 = arith.mulf %get3A_293, %mul3A_305 : vector<16xf32>
      %add3A_307 = arith.addf %broadcast_in_dim3A_295, %mul3A_306 : vector<16xf32>
      %add3A_308 = arith.constant 0.000000e+00 : f32
      %add3A_309 = arith.addf %add3A_308, %convert_element_type3A_304 : f32
      %add3A_310 = arith.constant -1 : i32
      %add3A_311 = arith.addi %select_n3A_288, %add3A_310 : i32
      %ge3A_312 = arith.constant 2 : i32
      %ge3A_313 = arith.cmpi sge, %add3A_311, %ge3A_312 : i32
      %le3A_314 = arith.constant 61 : i32
      %le3A_315 = arith.cmpi sle, %add3A_311, %le3A_314 : i32
      %and3A_316 = arith.andi %ge3A_313, %le3A_315 : i1
      %convert_element_type3A_317 = arith.extui %and3A_316 : i1 to i32
      %convert_element_type3A_318 = arith.sitofp %convert_element_type3A_317 : i32 to f32
      %mul3A_319 = vector.broadcast %convert_element_type3A_318 : f32 to vector<16xf32>
      %mul3A_320 = arith.mulf %get3A_293, %mul3A_319 : vector<16xf32>
      %add3A_321 = arith.addf %add3A_307, %mul3A_320 : vector<16xf32>
      %add3A_322 = arith.addf %add3A_309, %convert_element_type3A_318 : f32
      %add3A_323 = arith.constant 0 : i32
      %add3A_324 = arith.addi %select_n3A_288, %add3A_323 : i32
      %ge3A_325 = arith.constant 2 : i32
      %ge3A_326 = arith.cmpi sge, %add3A_324, %ge3A_325 : i32
      %le3A_327 = arith.constant 61 : i32
      %le3A_328 = arith.cmpi sle, %add3A_324, %le3A_327 : i32
      %and3A_329 = arith.andi %ge3A_326, %le3A_328 : i1
      %convert_element_type3A_330 = arith.extui %and3A_329 : i1 to i32
      %convert_element_type3A_331 = arith.sitofp %convert_element_type3A_330 : i32 to f32
      %mul3A_332 = vector.broadcast %convert_element_type3A_331 : f32 to vector<16xf32>
      %mul3A_333 = arith.mulf %get3A_293, %mul3A_332 : vector<16xf32>
      %add3A_334 = arith.addf %add3A_321, %mul3A_333 : vector<16xf32>
      %add3A_335 = arith.addf %add3A_322, %convert_element_type3A_331 : f32
      %add3A_336 = arith.constant 1 : i32
      %add3A_337 = arith.addi %select_n3A_288, %add3A_336 : i32
      %ge3A_338 = arith.constant 2 : i32
      %ge3A_339 = arith.cmpi sge, %add3A_337, %ge3A_338 : i32
      %le3A_340 = arith.constant 61 : i32
      %le3A_341 = arith.cmpi sle, %add3A_337, %le3A_340 : i32
      %and3A_342 = arith.andi %ge3A_339, %le3A_341 : i1
      %convert_element_type3A_343 = arith.extui %and3A_342 : i1 to i32
      %convert_element_type3A_344 = arith.sitofp %convert_element_type3A_343 : i32 to f32
      %mul3A_345 = vector.broadcast %convert_element_type3A_344 : f32 to vector<16xf32>
      %mul3A_346 = arith.mulf %get3A_293, %mul3A_345 : vector<16xf32>
      %add3A_347 = arith.addf %add3A_334, %mul3A_346 : vector<16xf32>
      %add3A_348 = arith.addf %add3A_335, %convert_element_type3A_344 : f32
      %add3A_349 = arith.constant 2 : i32
      %add3A_350 = arith.addi %select_n3A_288, %add3A_349 : i32
      %ge3A_351 = arith.constant 2 : i32
      %ge3A_352 = arith.cmpi sge, %add3A_350, %ge3A_351 : i32
      %le3A_353 = arith.constant 61 : i32
      %le3A_354 = arith.cmpi sle, %add3A_350, %le3A_353 : i32
      %and3A_355 = arith.andi %ge3A_352, %le3A_354 : i1
      %convert_element_type3A_356 = arith.extui %and3A_355 : i1 to i32
      %convert_element_type3A_357 = arith.sitofp %convert_element_type3A_356 : i32 to f32
      %mul3A_358 = vector.broadcast %convert_element_type3A_357 : f32 to vector<16xf32>
      %mul3A_359 = arith.mulf %get3A_293, %mul3A_358 : vector<16xf32>
      %add3A_360 = arith.addf %add3A_347, %mul3A_359 : vector<16xf32>
      %add3A_361 = arith.addf %add3A_348, %convert_element_type3A_357 : f32
      %mul3A_362 = arith.constant 5.000000e+00 : f32
      %mul3A_363 = vector.broadcast %mul3A_362 : f32 to vector<16xf32>
      %mul3A_364 = arith.mulf %add3A_360, %mul3A_363 : vector<16xf32>
      %mul3A_365 = arith.constant 5.000000e+00 : f32
      %mul3A_366 = arith.mulf %add3A_361, %mul3A_365 : f32
      %div3A_367 = vector.broadcast %mul3A_366 : f32 to vector<16xf32>
      %div3A_368 = arith.divf %mul3A_364, %div3A_367 : vector<16xf32>
      %mul3A_369 = arith.constant 16 : i32
      %mul3A_370 = arith.muli %scan3A_248, %mul3A_369 : i32
      %swap3A_371 = arith.index_cast %mul3A_370 : i32 to index
      %swap3A_372 = tpu.vector_load %arg4[%swap3A_371] {strides = array<i32>} : memref<8192xf32, #tpu.memory_space<vmem>>, vector<16xf32>,
      %swap3A_373 = vector.shape_cast %swap3A_372 : vector<16xf32> to vector<16xf32>
      %swap3A_374 = vector.shape_cast %div3A_368 : vector<16xf32> to vector<16xf32>
      tpu.vector_store %arg4[%swap3A_371], %swap3A_374 {strides = array<i32>} : memref<8192xf32, #tpu.memory_space<vmem>>, vector<16xf32>,
      %scan3A_375 = arith.constant 3 : i32
      %scan3A_376 = arith.addi %scan3A_8, %scan3A_375 : i32
      %jit3A_377 = arith.constant 512 : i32
      %eq3A_378 = arith.constant 0 : i32
      %eq3A_379 = arith.cmpi eq, %jit3A_377, %eq3A_378 : i32
      %jit3A_380 = arith.constant 1 : i32
      %select_n3A_381 = arith.select %eq3A_379, %jit3A_380, %jit3A_377 : i32
      %rem3A_382 = arith.remsi %scan3A_376, %select_n3A_381 : i32
      %ne3A_383 = arith.constant 0 : i32
      %ne3A_384 = arith.cmpi ne, %rem3A_382, %ne3A_383 : i32
      %lt3A_385 = arith.constant 0 : i32
      %lt3A_386 = arith.cmpi slt, %rem3A_382, %lt3A_385 : i32
      %lt3A_387 = arith.constant 0 : i32
      %lt3A_388 = arith.cmpi slt, %select_n3A_381, %lt3A_387 : i32
      %ne3A_389 = arith.xori %lt3A_386, %lt3A_388 : i1
      %and3A_390 = arith.andi %ne3A_389, %ne3A_384 : i1
      %add3A_391 = arith.addi %rem3A_382, %select_n3A_381 : i32
      %select_n3A_392 = arith.select %and3A_390, %add3A_391, %rem3A_382 : i32
      %jit3A_393 = arith.constant 8 : i32
      %div3A_394 = arith.divsi %select_n3A_392, %jit3A_393 : i32
      %sign3A_395 = arith.constant 0 : i32
      %sign3A_396 = arith.cmpi sgt, %select_n3A_392, %sign3A_395 : i32
      %sign3A_397 = arith.extui %sign3A_396 : i1 to i32
      %sign3A_398 = arith.constant 0 : i32
      %sign3A_399 = arith.cmpi slt, %select_n3A_392, %sign3A_398 : i32
      %sign3A_400 = arith.extui %sign3A_399 : i1 to i32
      %sign3A_401 = arith.subi %sign3A_397, %sign3A_400 : i32
      %sign3A_402 = arith.constant 0 : i32
      %sign3A_403 = arith.cmpi sgt, %jit3A_393, %sign3A_402 : i32
      %sign3A_404 = arith.extui %sign3A_403 : i1 to i32
      %sign3A_405 = arith.constant 0 : i32
      %sign3A_406 = arith.cmpi slt, %jit3A_393, %sign3A_405 : i32
      %sign3A_407 = arith.extui %sign3A_406 : i1 to i32
      %sign3A_408 = arith.subi %sign3A_404, %sign3A_407 : i32
      %ne3A_409 = arith.cmpi ne, %sign3A_401, %sign3A_408 : i32
      %rem3A_410 = arith.remsi %select_n3A_392, %jit3A_393 : i32
      %ne3A_411 = arith.constant 0 : i32
      %ne3A_412 = arith.cmpi ne, %rem3A_410, %ne3A_411 : i32
      %and3A_413 = arith.andi %ne3A_409, %ne3A_412 : i1
      %sub3A_414 = arith.constant 1 : i32
      %sub3A_415 = arith.subi %div3A_394, %sub3A_414 : i32
      %select_n3A_416 = arith.select %and3A_413, %sub3A_415, %div3A_394 : i32
      %mul3A_417 = arith.constant 16 : i32
      %mul3A_418 = arith.muli %scan3A_376, %mul3A_417 : i32
      %get3A_419 = arith.index_cast %mul3A_418 : i32 to index
      %get3A_420 = tpu.vector_load %arg4[%get3A_419] {strides = array<i32>} : memref<8192xf32, #tpu.memory_space<vmem>>, vector<16xf32>,
      %get3A_421 = vector.shape_cast %get3A_420 : vector<16xf32> to vector<16xf32>
      %broadcast_in_dim3A_422 = arith.constant 0.000000e+00 : f32
      %broadcast_in_dim3A_423 = vector.broadcast %broadcast_in_dim3A_422 : f32 to vector<16xf32>
      %add3A_424 = arith.constant -2 : i32
      %add3A_425 = arith.addi %select_n3A_416, %add3A_424 : i32
      %ge3A_426 = arith.constant 2 : i32
      %ge3A_427 = arith.cmpi sge, %add3A_425, %ge3A_426 : i32
      %le3A_428 = arith.constant 61 : i32
      %le3A_429 = arith.cmpi sle, %add3A_425, %le3A_428 : i32
      %and3A_430 = arith.andi %ge3A_427, %le3A_429 : i1
      %convert_element_type3A_431 = arith.extui %and3A_430 : i1 to i32
      %convert_element_type3A_432 = arith.sitofp %convert_element_type3A_431 : i32 to f32
      %mul3A_433 = vector.broadcast %convert_element_type3A_432 : f32 to vector<16xf32>
      %mul3A_434 = arith.mulf %get3A_421, %mul3A_433 : vector<16xf32>
      %add3A_435 = arith.addf %broadcast_in_dim3A_423, %mul3A_434 : vector<16xf32>
      %add3A_436 = arith.constant 0.000000e+00 : f32
      %add3A_437 = arith.addf %add3A_436, %convert_element_type3A_432 : f32
      %add3A_438 = arith.constant -1 : i32
      %add3A_439 = arith.addi %select_n3A_416, %add3A_438 : i32
      %ge3A_440 = arith.constant 2 : i32
      %ge3A_441 = arith.cmpi sge, %add3A_439, %ge3A_440 : i32
      %le3A_442 = arith.constant 61 : i32
      %le3A_443 = arith.cmpi sle, %add3A_439, %le3A_442 : i32
      %and3A_444 = arith.andi %ge3A_441, %le3A_443 : i1
      %convert_element_type3A_445 = arith.extui %and3A_444 : i1 to i32
      %convert_element_type3A_446 = arith.sitofp %convert_element_type3A_445 : i32 to f32
      %mul3A_447 = vector.broadcast %convert_element_type3A_446 : f32 to vector<16xf32>
      %mul3A_448 = arith.mulf %get3A_421, %mul3A_447 : vector<16xf32>
      %add3A_449 = arith.addf %add3A_435, %mul3A_448 : vector<16xf32>
      %add3A_450 = arith.addf %add3A_437, %convert_element_type3A_446 : f32
      %add3A_451 = arith.constant 0 : i32
      %add3A_452 = arith.addi %select_n3A_416, %add3A_451 : i32
      %ge3A_453 = arith.constant 2 : i32
      %ge3A_454 = arith.cmpi sge, %add3A_452, %ge3A_453 : i32
      %le3A_455 = arith.constant 61 : i32
      %le3A_456 = arith.cmpi sle, %add3A_452, %le3A_455 : i32
      %and3A_457 = arith.andi %ge3A_454, %le3A_456 : i1
      %convert_element_type3A_458 = arith.extui %and3A_457 : i1 to i32
      %convert_element_type3A_459 = arith.sitofp %convert_element_type3A_458 : i32 to f32
      %mul3A_460 = vector.broadcast %convert_element_type3A_459 : f32 to vector<16xf32>
      %mul3A_461 = arith.mulf %get3A_421, %mul3A_460 : vector<16xf32>
      %add3A_462 = arith.addf %add3A_449, %mul3A_461 : vector<16xf32>
      %add3A_463 = arith.addf %add3A_450, %convert_element_type3A_459 : f32
      %add3A_464 = arith.constant 1 : i32
      %add3A_465 = arith.addi %select_n3A_416, %add3A_464 : i32
      %ge3A_466 = arith.constant 2 : i32
      %ge3A_467 = arith.cmpi sge, %add3A_465, %ge3A_466 : i32
      %le3A_468 = arith.constant 61 : i32
      %le3A_469 = arith.cmpi sle, %add3A_465, %le3A_468 : i32
      %and3A_470 = arith.andi %ge3A_467, %le3A_469 : i1
      %convert_element_type3A_471 = arith.extui %and3A_470 : i1 to i32
      %convert_element_type3A_472 = arith.sitofp %convert_element_type3A_471 : i32 to f32
      %mul3A_473 = vector.broadcast %convert_element_type3A_472 : f32 to vector<16xf32>
      %mul3A_474 = arith.mulf %get3A_421, %mul3A_473 : vector<16xf32>
      %add3A_475 = arith.addf %add3A_462, %mul3A_474 : vector<16xf32>
      %add3A_476 = arith.addf %add3A_463, %convert_element_type3A_472 : f32
      %add3A_477 = arith.constant 2 : i32
      %add3A_478 = arith.addi %select_n3A_416, %add3A_477 : i32
      %ge3A_479 = arith.constant 2 : i32
      %ge3A_480 = arith.cmpi sge, %add3A_478, %ge3A_479 : i32
      %le3A_481 = arith.constant 61 : i32
      %le3A_482 = arith.cmpi sle, %add3A_478, %le3A_481 : i32
      %and3A_483 = arith.andi %ge3A_480, %le3A_482 : i1
      %convert_element_type3A_484 = arith.extui %and3A_483 : i1 to i32
      %convert_element_type3A_485 = arith.sitofp %convert_element_type3A_484 : i32 to f32
      %mul3A_486 = vector.broadcast %convert_element_type3A_485 : f32 to vector<16xf32>
      %mul3A_487 = arith.mulf %get3A_421, %mul3A_486 : vector<16xf32>
      %add3A_488 = arith.addf %add3A_475, %mul3A_487 : vector<16xf32>
      %add3A_489 = arith.addf %add3A_476, %convert_element_type3A_485 : f32
      %mul3A_490 = arith.constant 5.000000e+00 : f32
      %mul3A_491 = vector.broadcast %mul3A_490 : f32 to vector<16xf32>
      %mul3A_492 = arith.mulf %add3A_488, %mul3A_491 : vector<16xf32>
      %mul3A_493 = arith.constant 5.000000e+00 : f32
      %mul3A_494 = arith.mulf %add3A_489, %mul3A_493 : f32
      %div3A_495 = vector.broadcast %mul3A_494 : f32 to vector<16xf32>
      %div3A_496 = arith.divf %mul3A_492, %div3A_495 : vector<16xf32>
      %mul3A_497 = arith.constant 16 : i32
      %mul3A_498 = arith.muli %scan3A_376, %mul3A_497 : i32
      %swap3A_499 = arith.index_cast %mul3A_498 : i32 to index
      %swap3A_500 = tpu.vector_load %arg4[%swap3A_499] {strides = array<i32>} : memref<8192xf32, #tpu.memory_space<vmem>>, vector<16xf32>,
      %swap3A_501 = vector.shape_cast %swap3A_500 : vector<16xf32> to vector<16xf32>
      %swap3A_502 = vector.shape_cast %div3A_496 : vector<16xf32> to vector<16xf32>
      tpu.vector_store %arg4[%swap3A_499], %swap3A_502 {strides = array<i32>} : memref<8192xf32, #tpu.memory_space<vmem>>, vector<16xf32>,
      %scan3A_503 = arith.constant 4 : i32
      %scan3A_504 = arith.addi %scan3A_8, %scan3A_503 : i32
      %jit3A_505 = arith.constant 512 : i32
      %eq3A_506 = arith.constant 0 : i32
      %eq3A_507 = arith.cmpi eq, %jit3A_505, %eq3A_506 : i32
      %jit3A_508 = arith.constant 1 : i32
      %select_n3A_509 = arith.select %eq3A_507, %jit3A_508, %jit3A_505 : i32
      %rem3A_510 = arith.remsi %scan3A_504, %select_n3A_509 : i32
      %ne3A_511 = arith.constant 0 : i32
      %ne3A_512 = arith.cmpi ne, %rem3A_510, %ne3A_511 : i32
      %lt3A_513 = arith.constant 0 : i32
      %lt3A_514 = arith.cmpi slt, %rem3A_510, %lt3A_513 : i32
      %lt3A_515 = arith.constant 0 : i32
      %lt3A_516 = arith.cmpi slt, %select_n3A_509, %lt3A_515 : i32
      %ne3A_517 = arith.xori %lt3A_514, %lt3A_516 : i1
      %and3A_518 = arith.andi %ne3A_517, %ne3A_512 : i1
      %add3A_519 = arith.addi %rem3A_510, %select_n3A_509 : i32
      %select_n3A_520 = arith.select %and3A_518, %add3A_519, %rem3A_510 : i32
      %jit3A_521 = arith.constant 8 : i32
      %div3A_522 = arith.divsi %select_n3A_520, %jit3A_521 : i32
      %sign3A_523 = arith.constant 0 : i32
      %sign3A_524 = arith.cmpi sgt, %select_n3A_520, %sign3A_523 : i32
      %sign3A_525 = arith.extui %sign3A_524 : i1 to i32
      %sign3A_526 = arith.constant 0 : i32
      %sign3A_527 = arith.cmpi slt, %select_n3A_520, %sign3A_526 : i32
      %sign3A_528 = arith.extui %sign3A_527 : i1 to i32
      %sign3A_529 = arith.subi %sign3A_525, %sign3A_528 : i32
      %sign3A_530 = arith.constant 0 : i32
      %sign3A_531 = arith.cmpi sgt, %jit3A_521, %sign3A_530 : i32
      %sign3A_532 = arith.extui %sign3A_531 : i1 to i32
      %sign3A_533 = arith.constant 0 : i32
      %sign3A_534 = arith.cmpi slt, %jit3A_521, %sign3A_533 : i32
      %sign3A_535 = arith.extui %sign3A_534 : i1 to i32
      %sign3A_536 = arith.subi %sign3A_532, %sign3A_535 : i32
      %ne3A_537 = arith.cmpi ne, %sign3A_529, %sign3A_536 : i32
      %rem3A_538 = arith.remsi %select_n3A_520, %jit3A_521 : i32
      %ne3A_539 = arith.constant 0 : i32
      %ne3A_540 = arith.cmpi ne, %rem3A_538, %ne3A_539 : i32
      %and3A_541 = arith.andi %ne3A_537, %ne3A_540 : i1
      %sub3A_542 = arith.constant 1 : i32
      %sub3A_543 = arith.subi %div3A_522, %sub3A_542 : i32
      %select_n3A_544 = arith.select %and3A_541, %sub3A_543, %div3A_522 : i32
      %mul3A_545 = arith.constant 16 : i32
      %mul3A_546 = arith.muli %scan3A_504, %mul3A_545 : i32
      %get3A_547 = arith.index_cast %mul3A_546 : i32 to index
      %get3A_548 = tpu.vector_load %arg4[%get3A_547] {strides = array<i32>} : memref<8192xf32, #tpu.memory_space<vmem>>, vector<16xf32>,
      %get3A_549 = vector.shape_cast %get3A_548 : vector<16xf32> to vector<16xf32>
      %broadcast_in_dim3A_550 = arith.constant 0.000000e+00 : f32
      %broadcast_in_dim3A_551 = vector.broadcast %broadcast_in_dim3A_550 : f32 to vector<16xf32>
      %add3A_552 = arith.constant -2 : i32
      %add3A_553 = arith.addi %select_n3A_544, %add3A_552 : i32
      %ge3A_554 = arith.constant 2 : i32
      %ge3A_555 = arith.cmpi sge, %add3A_553, %ge3A_554 : i32
      %le3A_556 = arith.constant 61 : i32
      %le3A_557 = arith.cmpi sle, %add3A_553, %le3A_556 : i32
      %and3A_558 = arith.andi %ge3A_555, %le3A_557 : i1
      %convert_element_type3A_559 = arith.extui %and3A_558 : i1 to i32
      %convert_element_type3A_560 = arith.sitofp %convert_element_type3A_559 : i32 to f32
      %mul3A_561 = vector.broadcast %convert_element_type3A_560 : f32 to vector<16xf32>
      %mul3A_562 = arith.mulf %get3A_549, %mul3A_561 : vector<16xf32>
      %add3A_563 = arith.addf %broadcast_in_dim3A_551, %mul3A_562 : vector<16xf32>
      %add3A_564 = arith.constant 0.000000e+00 : f32
      %add3A_565 = arith.addf %add3A_564, %convert_element_type3A_560 : f32
      %add3A_566 = arith.constant -1 : i32
      %add3A_567 = arith.addi %select_n3A_544, %add3A_566 : i32
      %ge3A_568 = arith.constant 2 : i32
      %ge3A_569 = arith.cmpi sge, %add3A_567, %ge3A_568 : i32
      %le3A_570 = arith.constant 61 : i32
      %le3A_571 = arith.cmpi sle, %add3A_567, %le3A_570 : i32
      %and3A_572 = arith.andi %ge3A_569, %le3A_571 : i1
      %convert_element_type3A_573 = arith.extui %and3A_572 : i1 to i32
      %convert_element_type3A_574 = arith.sitofp %convert_element_type3A_573 : i32 to f32
      %mul3A_575 = vector.broadcast %convert_element_type3A_574 : f32 to vector<16xf32>
      %mul3A_576 = arith.mulf %get3A_549, %mul3A_575 : vector<16xf32>
      %add3A_577 = arith.addf %add3A_563, %mul3A_576 : vector<16xf32>
      %add3A_578 = arith.addf %add3A_565, %convert_element_type3A_574 : f32
      %add3A_579 = arith.constant 0 : i32
      %add3A_580 = arith.addi %select_n3A_544, %add3A_579 : i32
      %ge3A_581 = arith.constant 2 : i32
      %ge3A_582 = arith.cmpi sge, %add3A_580, %ge3A_581 : i32
      %le3A_583 = arith.constant 61 : i32
      %le3A_584 = arith.cmpi sle, %add3A_580, %le3A_583 : i32
      %and3A_585 = arith.andi %ge3A_582, %le3A_584 : i1
      %convert_element_type3A_586 = arith.extui %and3A_585 : i1 to i32
      %convert_element_type3A_587 = arith.sitofp %convert_element_type3A_586 : i32 to f32
      %mul3A_588 = vector.broadcast %convert_element_type3A_587 : f32 to vector<16xf32>
      %mul3A_589 = arith.mulf %get3A_549, %mul3A_588 : vector<16xf32>
      %add3A_590 = arith.addf %add3A_577, %mul3A_589 : vector<16xf32>
      %add3A_591 = arith.addf %add3A_578, %convert_element_type3A_587 : f32
      %add3A_592 = arith.constant 1 : i32
      %add3A_593 = arith.addi %select_n3A_544, %add3A_592 : i32
      %ge3A_594 = arith.constant 2 : i32
      %ge3A_595 = arith.cmpi sge, %add3A_593, %ge3A_594 : i32
      %le3A_596 = arith.constant 61 : i32
      %le3A_597 = arith.cmpi sle, %add3A_593, %le3A_596 : i32
      %and3A_598 = arith.andi %ge3A_595, %le3A_597 : i1
      %convert_element_type3A_599 = arith.extui %and3A_598 : i1 to i32
      %convert_element_type3A_600 = arith.sitofp %convert_element_type3A_599 : i32 to f32
      %mul3A_601 = vector.broadcast %convert_element_type3A_600 : f32 to vector<16xf32>
      %mul3A_602 = arith.mulf %get3A_549, %mul3A_601 : vector<16xf32>
      %add3A_603 = arith.addf %add3A_590, %mul3A_602 : vector<16xf32>
      %add3A_604 = arith.addf %add3A_591, %convert_element_type3A_600 : f32
      %add3A_605 = arith.constant 2 : i32
      %add3A_606 = arith.addi %select_n3A_544, %add3A_605 : i32
      %ge3A_607 = arith.constant 2 : i32
      %ge3A_608 = arith.cmpi sge, %add3A_606, %ge3A_607 : i32
      %le3A_609 = arith.constant 61 : i32
      %le3A_610 = arith.cmpi sle, %add3A_606, %le3A_609 : i32
      %and3A_611 = arith.andi %ge3A_608, %le3A_610 : i1
      %convert_element_type3A_612 = arith.extui %and3A_611 : i1 to i32
      %convert_element_type3A_613 = arith.sitofp %convert_element_type3A_612 : i32 to f32
      %mul3A_614 = vector.broadcast %convert_element_type3A_613 : f32 to vector<16xf32>
      %mul3A_615 = arith.mulf %get3A_549, %mul3A_614 : vector<16xf32>
      %add3A_616 = arith.addf %add3A_603, %mul3A_615 : vector<16xf32>
      %add3A_617 = arith.addf %add3A_604, %convert_element_type3A_613 : f32
      %mul3A_618 = arith.constant 5.000000e+00 : f32
      %mul3A_619 = vector.broadcast %mul3A_618 : f32 to vector<16xf32>
      %mul3A_620 = arith.mulf %add3A_616, %mul3A_619 : vector<16xf32>
      %mul3A_621 = arith.constant 5.000000e+00 : f32
      %mul3A_622 = arith.mulf %add3A_617, %mul3A_621 : f32
      %div3A_623 = vector.broadcast %mul3A_622 : f32 to vector<16xf32>
      %div3A_624 = arith.divf %mul3A_620, %div3A_623 : vector<16xf32>
      %mul3A_625 = arith.constant 16 : i32
      %mul3A_626 = arith.muli %scan3A_504, %mul3A_625 : i32
      %swap3A_627 = arith.index_cast %mul3A_626 : i32 to index
      %swap3A_628 = tpu.vector_load %arg4[%swap3A_627] {strides = array<i32>} : memref<8192xf32, #tpu.memory_space<vmem>>, vector<16xf32>,
      %swap3A_629 = vector.shape_cast %swap3A_628 : vector<16xf32> to vector<16xf32>
      %swap3A_630 = vector.shape_cast %div3A_624 : vector<16xf32> to vector<16xf32>
      tpu.vector_store %arg4[%swap3A_627], %swap3A_630 {strides = array<i32>} : memref<8192xf32, #tpu.memory_space<vmem>>, vector<16xf32>,
      %scan3A_631 = arith.constant 5 : i32
      %scan3A_632 = arith.addi %scan3A_8, %scan3A_631 : i32
      %jit3A_633 = arith.constant 512 : i32
      %eq3A_634 = arith.constant 0 : i32
      %eq3A_635 = arith.cmpi eq, %jit3A_633, %eq3A_634 : i32
      %jit3A_636 = arith.constant 1 : i32
      %select_n3A_637 = arith.select %eq3A_635, %jit3A_636, %jit3A_633 : i32
      %rem3A_638 = arith.remsi %scan3A_632, %select_n3A_637 : i32
      %ne3A_639 = arith.constant 0 : i32
      %ne3A_640 = arith.cmpi ne, %rem3A_638, %ne3A_639 : i32
      %lt3A_641 = arith.constant 0 : i32
      %lt3A_642 = arith.cmpi slt, %rem3A_638, %lt3A_641 : i32
      %lt3A_643 = arith.constant 0 : i32
      %lt3A_644 = arith.cmpi slt, %select_n3A_637, %lt3A_643 : i32
      %ne3A_645 = arith.xori %lt3A_642, %lt3A_644 : i1
      %and3A_646 = arith.andi %ne3A_645, %ne3A_640 : i1
      %add3A_647 = arith.addi %rem3A_638, %select_n3A_637 : i32
      %select_n3A_648 = arith.select %and3A_646, %add3A_647, %rem3A_638 : i32
      %jit3A_649 = arith.constant 8 : i32
      %div3A_650 = arith.divsi %select_n3A_648, %jit3A_649 : i32
      %sign3A_651 = arith.constant 0 : i32
      %sign3A_652 = arith.cmpi sgt, %select_n3A_648, %sign3A_651 : i32
      %sign3A_653 = arith.extui %sign3A_652 : i1 to i32
      %sign3A_654 = arith.constant 0 : i32
      %sign3A_655 = arith.cmpi slt, %select_n3A_648, %sign3A_654 : i32
      %sign3A_656 = arith.extui %sign3A_655 : i1 to i32
      %sign3A_657 = arith.subi %sign3A_653, %sign3A_656 : i32
      %sign3A_658 = arith.constant 0 : i32
      %sign3A_659 = arith.cmpi sgt, %jit3A_649, %sign3A_658 : i32
      %sign3A_660 = arith.extui %sign3A_659 : i1 to i32
      %sign3A_661 = arith.constant 0 : i32
      %sign3A_662 = arith.cmpi slt, %jit3A_649, %sign3A_661 : i32
      %sign3A_663 = arith.extui %sign3A_662 : i1 to i32
      %sign3A_664 = arith.subi %sign3A_660, %sign3A_663 : i32
      %ne3A_665 = arith.cmpi ne, %sign3A_657, %sign3A_664 : i32
      %rem3A_666 = arith.remsi %select_n3A_648, %jit3A_649 : i32
      %ne3A_667 = arith.constant 0 : i32
      %ne3A_668 = arith.cmpi ne, %rem3A_666, %ne3A_667 : i32
      %and3A_669 = arith.andi %ne3A_665, %ne3A_668 : i1
      %sub3A_670 = arith.constant 1 : i32
      %sub3A_671 = arith.subi %div3A_650, %sub3A_670 : i32
      %select_n3A_672 = arith.select %and3A_669, %sub3A_671, %div3A_650 : i32
      %mul3A_673 = arith.constant 16 : i32
      %mul3A_674 = arith.muli %scan3A_632, %mul3A_673 : i32
      %get3A_675 = arith.index_cast %mul3A_674 : i32 to index
      %get3A_676 = tpu.vector_load %arg4[%get3A_675] {strides = array<i32>} : memref<8192xf32, #tpu.memory_space<vmem>>, vector<16xf32>,
      %get3A_677 = vector.shape_cast %get3A_676 : vector<16xf32> to vector<16xf32>
      %broadcast_in_dim3A_678 = arith.constant 0.000000e+00 : f32
      %broadcast_in_dim3A_679 = vector.broadcast %broadcast_in_dim3A_678 : f32 to vector<16xf32>
      %add3A_680 = arith.constant -2 : i32
      %add3A_681 = arith.addi %select_n3A_672, %add3A_680 : i32
      %ge3A_682 = arith.constant 2 : i32
      %ge3A_683 = arith.cmpi sge, %add3A_681, %ge3A_682 : i32
      %le3A_684 = arith.constant 61 : i32
      %le3A_685 = arith.cmpi sle, %add3A_681, %le3A_684 : i32
      %and3A_686 = arith.andi %ge3A_683, %le3A_685 : i1
      %convert_element_type3A_687 = arith.extui %and3A_686 : i1 to i32
      %convert_element_type3A_688 = arith.sitofp %convert_element_type3A_687 : i32 to f32
      %mul3A_689 = vector.broadcast %convert_element_type3A_688 : f32 to vector<16xf32>
      %mul3A_690 = arith.mulf %get3A_677, %mul3A_689 : vector<16xf32>
      %add3A_691 = arith.addf %broadcast_in_dim3A_679, %mul3A_690 : vector<16xf32>
      %add3A_692 = arith.constant 0.000000e+00 : f32
      %add3A_693 = arith.addf %add3A_692, %convert_element_type3A_688 : f32
      %add3A_694 = arith.constant -1 : i32
      %add3A_695 = arith.addi %select_n3A_672, %add3A_694 : i32
      %ge3A_696 = arith.constant 2 : i32
      %ge3A_697 = arith.cmpi sge, %add3A_695, %ge3A_696 : i32
      %le3A_698 = arith.constant 61 : i32
      %le3A_699 = arith.cmpi sle, %add3A_695, %le3A_698 : i32
      %and3A_700 = arith.andi %ge3A_697, %le3A_699 : i1
      %convert_element_type3A_701 = arith.extui %and3A_700 : i1 to i32
      %convert_element_type3A_702 = arith.sitofp %convert_element_type3A_701 : i32 to f32
      %mul3A_703 = vector.broadcast %convert_element_type3A_702 : f32 to vector<16xf32>
      %mul3A_704 = arith.mulf %get3A_677, %mul3A_703 : vector<16xf32>
      %add3A_705 = arith.addf %add3A_691, %mul3A_704 : vector<16xf32>
      %add3A_706 = arith.addf %add3A_693, %convert_element_type3A_702 : f32
      %add3A_707 = arith.constant 0 : i32
      %add3A_708 = arith.addi %select_n3A_672, %add3A_707 : i32
      %ge3A_709 = arith.constant 2 : i32
      %ge3A_710 = arith.cmpi sge, %add3A_708, %ge3A_709 : i32
      %le3A_711 = arith.constant 61 : i32
      %le3A_712 = arith.cmpi sle, %add3A_708, %le3A_711 : i32
      %and3A_713 = arith.andi %ge3A_710, %le3A_712 : i1
      %convert_element_type3A_714 = arith.extui %and3A_713 : i1 to i32
      %convert_element_type3A_715 = arith.sitofp %convert_element_type3A_714 : i32 to f32
      %mul3A_716 = vector.broadcast %convert_element_type3A_715 : f32 to vector<16xf32>
      %mul3A_717 = arith.mulf %get3A_677, %mul3A_716 : vector<16xf32>
      %add3A_718 = arith.addf %add3A_705, %mul3A_717 : vector<16xf32>
      %add3A_719 = arith.addf %add3A_706, %convert_element_type3A_715 : f32
      %add3A_720 = arith.constant 1 : i32
      %add3A_721 = arith.addi %select_n3A_672, %add3A_720 : i32
      %ge3A_722 = arith.constant 2 : i32
      %ge3A_723 = arith.cmpi sge, %add3A_721, %ge3A_722 : i32
      %le3A_724 = arith.constant 61 : i32
      %le3A_725 = arith.cmpi sle, %add3A_721, %le3A_724 : i32
      %and3A_726 = arith.andi %ge3A_723, %le3A_725 : i1
      %convert_element_type3A_727 = arith.extui %and3A_726 : i1 to i32
      %convert_element_type3A_728 = arith.sitofp %convert_element_type3A_727 : i32 to f32
      %mul3A_729 = vector.broadcast %convert_element_type3A_728 : f32 to vector<16xf32>
      %mul3A_730 = arith.mulf %get3A_677, %mul3A_729 : vector<16xf32>
      %add3A_731 = arith.addf %add3A_718, %mul3A_730 : vector<16xf32>
      %add3A_732 = arith.addf %add3A_719, %convert_element_type3A_728 : f32
      %add3A_733 = arith.constant 2 : i32
      %add3A_734 = arith.addi %select_n3A_672, %add3A_733 : i32
      %ge3A_735 = arith.constant 2 : i32
      %ge3A_736 = arith.cmpi sge, %add3A_734, %ge3A_735 : i32
      %le3A_737 = arith.constant 61 : i32
      %le3A_738 = arith.cmpi sle, %add3A_734, %le3A_737 : i32
      %and3A_739 = arith.andi %ge3A_736, %le3A_738 : i1
      %convert_element_type3A_740 = arith.extui %and3A_739 : i1 to i32
      %convert_element_type3A_741 = arith.sitofp %convert_element_type3A_740 : i32 to f32
      %mul3A_742 = vector.broadcast %convert_element_type3A_741 : f32 to vector<16xf32>
      %mul3A_743 = arith.mulf %get3A_677, %mul3A_742 : vector<16xf32>
      %add3A_744 = arith.addf %add3A_731, %mul3A_743 : vector<16xf32>
      %add3A_745 = arith.addf %add3A_732, %convert_element_type3A_741 : f32
      %mul3A_746 = arith.constant 5.000000e+00 : f32
      %mul3A_747 = vector.broadcast %mul3A_746 : f32 to vector<16xf32>
      %mul3A_748 = arith.mulf %add3A_744, %mul3A_747 : vector<16xf32>
      %mul3A_749 = arith.constant 5.000000e+00 : f32
      %mul3A_750 = arith.mulf %add3A_745, %mul3A_749 : f32
      %div3A_751 = vector.broadcast %mul3A_750 : f32 to vector<16xf32>
      %div3A_752 = arith.divf %mul3A_748, %div3A_751 : vector<16xf32>
      %mul3A_753 = arith.constant 16 : i32
      %mul3A_754 = arith.muli %scan3A_632, %mul3A_753 : i32
      %swap3A_755 = arith.index_cast %mul3A_754 : i32 to index
      %swap3A_756 = tpu.vector_load %arg4[%swap3A_755] {strides = array<i32>} : memref<8192xf32, #tpu.memory_space<vmem>>, vector<16xf32>,
      %swap3A_757 = vector.shape_cast %swap3A_756 : vector<16xf32> to vector<16xf32>
      %swap3A_758 = vector.shape_cast %div3A_752 : vector<16xf32> to vector<16xf32>
      tpu.vector_store %arg4[%swap3A_755], %swap3A_758 {strides = array<i32>} : memref<8192xf32, #tpu.memory_space<vmem>>, vector<16xf32>,
      %scan3A_759 = arith.constant 6 : i32
      %scan3A_760 = arith.addi %scan3A_8, %scan3A_759 : i32
      %jit3A_761 = arith.constant 512 : i32
      %eq3A_762 = arith.constant 0 : i32
      %eq3A_763 = arith.cmpi eq, %jit3A_761, %eq3A_762 : i32
      %jit3A_764 = arith.constant 1 : i32
      %select_n3A_765 = arith.select %eq3A_763, %jit3A_764, %jit3A_761 : i32
      %rem3A_766 = arith.remsi %scan3A_760, %select_n3A_765 : i32
      %ne3A_767 = arith.constant 0 : i32
      %ne3A_768 = arith.cmpi ne, %rem3A_766, %ne3A_767 : i32
      %lt3A_769 = arith.constant 0 : i32
      %lt3A_770 = arith.cmpi slt, %rem3A_766, %lt3A_769 : i32
      %lt3A_771 = arith.constant 0 : i32
      %lt3A_772 = arith.cmpi slt, %select_n3A_765, %lt3A_771 : i32
      %ne3A_773 = arith.xori %lt3A_770, %lt3A_772 : i1
      %and3A_774 = arith.andi %ne3A_773, %ne3A_768 : i1
      %add3A_775 = arith.addi %rem3A_766, %select_n3A_765 : i32
      %select_n3A_776 = arith.select %and3A_774, %add3A_775, %rem3A_766 : i32
      %jit3A_777 = arith.constant 8 : i32
      %div3A_778 = arith.divsi %select_n3A_776, %jit3A_777 : i32
      %sign3A_779 = arith.constant 0 : i32
      %sign3A_780 = arith.cmpi sgt, %select_n3A_776, %sign3A_779 : i32
      %sign3A_781 = arith.extui %sign3A_780 : i1 to i32
      %sign3A_782 = arith.constant 0 : i32
      %sign3A_783 = arith.cmpi slt, %select_n3A_776, %sign3A_782 : i32
      %sign3A_784 = arith.extui %sign3A_783 : i1 to i32
      %sign3A_785 = arith.subi %sign3A_781, %sign3A_784 : i32
      %sign3A_786 = arith.constant 0 : i32
      %sign3A_787 = arith.cmpi sgt, %jit3A_777, %sign3A_786 : i32
      %sign3A_788 = arith.extui %sign3A_787 : i1 to i32
      %sign3A_789 = arith.constant 0 : i32
      %sign3A_790 = arith.cmpi slt, %jit3A_777, %sign3A_789 : i32
      %sign3A_791 = arith.extui %sign3A_790 : i1 to i32
      %sign3A_792 = arith.subi %sign3A_788, %sign3A_791 : i32
      %ne3A_793 = arith.cmpi ne, %sign3A_785, %sign3A_792 : i32
      %rem3A_794 = arith.remsi %select_n3A_776, %jit3A_777 : i32
      %ne3A_795 = arith.constant 0 : i32
      %ne3A_796 = arith.cmpi ne, %rem3A_794, %ne3A_795 : i32
      %and3A_797 = arith.andi %ne3A_793, %ne3A_796 : i1
      %sub3A_798 = arith.constant 1 : i32
      %sub3A_799 = arith.subi %div3A_778, %sub3A_798 : i32
      %select_n3A_800 = arith.select %and3A_797, %sub3A_799, %div3A_778 : i32
      %mul3A_801 = arith.constant 16 : i32
      %mul3A_802 = arith.muli %scan3A_760, %mul3A_801 : i32
      %get3A_803 = arith.index_cast %mul3A_802 : i32 to index
      %get3A_804 = tpu.vector_load %arg4[%get3A_803] {strides = array<i32>} : memref<8192xf32, #tpu.memory_space<vmem>>, vector<16xf32>,
      %get3A_805 = vector.shape_cast %get3A_804 : vector<16xf32> to vector<16xf32>
      %broadcast_in_dim3A_806 = arith.constant 0.000000e+00 : f32
      %broadcast_in_dim3A_807 = vector.broadcast %broadcast_in_dim3A_806 : f32 to vector<16xf32>
      %add3A_808 = arith.constant -2 : i32
      %add3A_809 = arith.addi %select_n3A_800, %add3A_808 : i32
      %ge3A_810 = arith.constant 2 : i32
      %ge3A_811 = arith.cmpi sge, %add3A_809, %ge3A_810 : i32
      %le3A_812 = arith.constant 61 : i32
      %le3A_813 = arith.cmpi sle, %add3A_809, %le3A_812 : i32
      %and3A_814 = arith.andi %ge3A_811, %le3A_813 : i1
      %convert_element_type3A_815 = arith.extui %and3A_814 : i1 to i32
      %convert_element_type3A_816 = arith.sitofp %convert_element_type3A_815 : i32 to f32
      %mul3A_817 = vector.broadcast %convert_element_type3A_816 : f32 to vector<16xf32>
      %mul3A_818 = arith.mulf %get3A_805, %mul3A_817 : vector<16xf32>
      %add3A_819 = arith.addf %broadcast_in_dim3A_807, %mul3A_818 : vector<16xf32>
      %add3A_820 = arith.constant 0.000000e+00 : f32
      %add3A_821 = arith.addf %add3A_820, %convert_element_type3A_816 : f32
      %add3A_822 = arith.constant -1 : i32
      %add3A_823 = arith.addi %select_n3A_800, %add3A_822 : i32
      %ge3A_824 = arith.constant 2 : i32
      %ge3A_825 = arith.cmpi sge, %add3A_823, %ge3A_824 : i32
      %le3A_826 = arith.constant 61 : i32
      %le3A_827 = arith.cmpi sle, %add3A_823, %le3A_826 : i32
      %and3A_828 = arith.andi %ge3A_825, %le3A_827 : i1
      %convert_element_type3A_829 = arith.extui %and3A_828 : i1 to i32
      %convert_element_type3A_830 = arith.sitofp %convert_element_type3A_829 : i32 to f32
      %mul3A_831 = vector.broadcast %convert_element_type3A_830 : f32 to vector<16xf32>
      %mul3A_832 = arith.mulf %get3A_805, %mul3A_831 : vector<16xf32>
      %add3A_833 = arith.addf %add3A_819, %mul3A_832 : vector<16xf32>
      %add3A_834 = arith.addf %add3A_821, %convert_element_type3A_830 : f32
      %add3A_835 = arith.constant 0 : i32
      %add3A_836 = arith.addi %select_n3A_800, %add3A_835 : i32
      %ge3A_837 = arith.constant 2 : i32
      %ge3A_838 = arith.cmpi sge, %add3A_836, %ge3A_837 : i32
      %le3A_839 = arith.constant 61 : i32
      %le3A_840 = arith.cmpi sle, %add3A_836, %le3A_839 : i32
      %and3A_841 = arith.andi %ge3A_838, %le3A_840 : i1
      %convert_element_type3A_842 = arith.extui %and3A_841 : i1 to i32
      %convert_element_type3A_843 = arith.sitofp %convert_element_type3A_842 : i32 to f32
      %mul3A_844 = vector.broadcast %convert_element_type3A_843 : f32 to vector<16xf32>
      %mul3A_845 = arith.mulf %get3A_805, %mul3A_844 : vector<16xf32>
      %add3A_846 = arith.addf %add3A_833, %mul3A_845 : vector<16xf32>
      %add3A_847 = arith.addf %add3A_834, %convert_element_type3A_843 : f32
      %add3A_848 = arith.constant 1 : i32
      %add3A_849 = arith.addi %select_n3A_800, %add3A_848 : i32
      %ge3A_850 = arith.constant 2 : i32
      %ge3A_851 = arith.cmpi sge, %add3A_849, %ge3A_850 : i32
      %le3A_852 = arith.constant 61 : i32
      %le3A_853 = arith.cmpi sle, %add3A_849, %le3A_852 : i32
      %and3A_854 = arith.andi %ge3A_851, %le3A_853 : i1
      %convert_element_type3A_855 = arith.extui %and3A_854 : i1 to i32
      %convert_element_type3A_856 = arith.sitofp %convert_element_type3A_855 : i32 to f32
      %mul3A_857 = vector.broadcast %convert_element_type3A_856 : f32 to vector<16xf32>
      %mul3A_858 = arith.mulf %get3A_805, %mul3A_857 : vector<16xf32>
      %add3A_859 = arith.addf %add3A_846, %mul3A_858 : vector<16xf32>
      %add3A_860 = arith.addf %add3A_847, %convert_element_type3A_856 : f32
      %add3A_861 = arith.constant 2 : i32
      %add3A_862 = arith.addi %select_n3A_800, %add3A_861 : i32
      %ge3A_863 = arith.constant 2 : i32
      %ge3A_864 = arith.cmpi sge, %add3A_862, %ge3A_863 : i32
      %le3A_865 = arith.constant 61 : i32
      %le3A_866 = arith.cmpi sle, %add3A_862, %le3A_865 : i32
      %and3A_867 = arith.andi %ge3A_864, %le3A_866 : i1
      %convert_element_type3A_868 = arith.extui %and3A_867 : i1 to i32
      %convert_element_type3A_869 = arith.sitofp %convert_element_type3A_868 : i32 to f32
      %mul3A_870 = vector.broadcast %convert_element_type3A_869 : f32 to vector<16xf32>
      %mul3A_871 = arith.mulf %get3A_805, %mul3A_870 : vector<16xf32>
      %add3A_872 = arith.addf %add3A_859, %mul3A_871 : vector<16xf32>
      %add3A_873 = arith.addf %add3A_860, %convert_element_type3A_869 : f32
      %mul3A_874 = arith.constant 5.000000e+00 : f32
      %mul3A_875 = vector.broadcast %mul3A_874 : f32 to vector<16xf32>
      %mul3A_876 = arith.mulf %add3A_872, %mul3A_875 : vector<16xf32>
      %mul3A_877 = arith.constant 5.000000e+00 : f32
      %mul3A_878 = arith.mulf %add3A_873, %mul3A_877 : f32
      %div3A_879 = vector.broadcast %mul3A_878 : f32 to vector<16xf32>
      %div3A_880 = arith.divf %mul3A_876, %div3A_879 : vector<16xf32>
      %mul3A_881 = arith.constant 16 : i32
      %mul3A_882 = arith.muli %scan3A_760, %mul3A_881 : i32
      %swap3A_883 = arith.index_cast %mul3A_882 : i32 to index
      %swap3A_884 = tpu.vector_load %arg4[%swap3A_883] {strides = array<i32>} : memref<8192xf32, #tpu.memory_space<vmem>>, vector<16xf32>,
      %swap3A_885 = vector.shape_cast %swap3A_884 : vector<16xf32> to vector<16xf32>
      %swap3A_886 = vector.shape_cast %div3A_880 : vector<16xf32> to vector<16xf32>
      tpu.vector_store %arg4[%swap3A_883], %swap3A_886 {strides = array<i32>} : memref<8192xf32, #tpu.memory_space<vmem>>, vector<16xf32>,
      %scan3A_887 = arith.constant 7 : i32
      %scan3A_888 = arith.addi %scan3A_8, %scan3A_887 : i32
      %jit3A_889 = arith.constant 512 : i32
      %eq3A_890 = arith.constant 0 : i32
      %eq3A_891 = arith.cmpi eq, %jit3A_889, %eq3A_890 : i32
      %jit3A_892 = arith.constant 1 : i32
      %select_n3A_893 = arith.select %eq3A_891, %jit3A_892, %jit3A_889 : i32
      %rem3A_894 = arith.remsi %scan3A_888, %select_n3A_893 : i32
      %ne3A_895 = arith.constant 0 : i32
      %ne3A_896 = arith.cmpi ne, %rem3A_894, %ne3A_895 : i32
      %lt3A_897 = arith.constant 0 : i32
      %lt3A_898 = arith.cmpi slt, %rem3A_894, %lt3A_897 : i32
      %lt3A_899 = arith.constant 0 : i32
      %lt3A_900 = arith.cmpi slt, %select_n3A_893, %lt3A_899 : i32
      %ne3A_901 = arith.xori %lt3A_898, %lt3A_900 : i1
      %and3A_902 = arith.andi %ne3A_901, %ne3A_896 : i1
      %add3A_903 = arith.addi %rem3A_894, %select_n3A_893 : i32
      %select_n3A_904 = arith.select %and3A_902, %add3A_903, %rem3A_894 : i32
      %jit3A_905 = arith.constant 8 : i32
      %div3A_906 = arith.divsi %select_n3A_904, %jit3A_905 : i32
      %sign3A_907 = arith.constant 0 : i32
      %sign3A_908 = arith.cmpi sgt, %select_n3A_904, %sign3A_907 : i32
      %sign3A_909 = arith.extui %sign3A_908 : i1 to i32
      %sign3A_910 = arith.constant 0 : i32
      %sign3A_911 = arith.cmpi slt, %select_n3A_904, %sign3A_910 : i32
      %sign3A_912 = arith.extui %sign3A_911 : i1 to i32
      %sign3A_913 = arith.subi %sign3A_909, %sign3A_912 : i32
      %sign3A_914 = arith.constant 0 : i32
      %sign3A_915 = arith.cmpi sgt, %jit3A_905, %sign3A_914 : i32
      %sign3A_916 = arith.extui %sign3A_915 : i1 to i32
      %sign3A_917 = arith.constant 0 : i32
      %sign3A_918 = arith.cmpi slt, %jit3A_905, %sign3A_917 : i32
      %sign3A_919 = arith.extui %sign3A_918 : i1 to i32
      %sign3A_920 = arith.subi %sign3A_916, %sign3A_919 : i32
      %ne3A_921 = arith.cmpi ne, %sign3A_913, %sign3A_920 : i32
      %rem3A_922 = arith.remsi %select_n3A_904, %jit3A_905 : i32
      %ne3A_923 = arith.constant 0 : i32
      %ne3A_924 = arith.cmpi ne, %rem3A_922, %ne3A_923 : i32
      %and3A_925 = arith.andi %ne3A_921, %ne3A_924 : i1
      %sub3A_926 = arith.constant 1 : i32
      %sub3A_927 = arith.subi %div3A_906, %sub3A_926 : i32
      %select_n3A_928 = arith.select %and3A_925, %sub3A_927, %div3A_906 : i32
      %mul3A_929 = arith.constant 16 : i32
      %mul3A_930 = arith.muli %scan3A_888, %mul3A_929 : i32
      %get3A_931 = arith.index_cast %mul3A_930 : i32 to index
      %get3A_932 = tpu.vector_load %arg4[%get3A_931] {strides = array<i32>} : memref<8192xf32, #tpu.memory_space<vmem>>, vector<16xf32>,
      %get3A_933 = vector.shape_cast %get3A_932 : vector<16xf32> to vector<16xf32>
      %broadcast_in_dim3A_934 = arith.constant 0.000000e+00 : f32
      %broadcast_in_dim3A_935 = vector.broadcast %broadcast_in_dim3A_934 : f32 to vector<16xf32>
      %add3A_936 = arith.constant -2 : i32
      %add3A_937 = arith.addi %select_n3A_928, %add3A_936 : i32
      %ge3A_938 = arith.constant 2 : i32
      %ge3A_939 = arith.cmpi sge, %add3A_937, %ge3A_938 : i32
      %le3A_940 = arith.constant 61 : i32
      %le3A_941 = arith.cmpi sle, %add3A_937, %le3A_940 : i32
      %and3A_942 = arith.andi %ge3A_939, %le3A_941 : i1
      %convert_element_type3A_943 = arith.extui %and3A_942 : i1 to i32
      %convert_element_type3A_944 = arith.sitofp %convert_element_type3A_943 : i32 to f32
      %mul3A_945 = vector.broadcast %convert_element_type3A_944 : f32 to vector<16xf32>
      %mul3A_946 = arith.mulf %get3A_933, %mul3A_945 : vector<16xf32>
      %add3A_947 = arith.addf %broadcast_in_dim3A_935, %mul3A_946 : vector<16xf32>
      %add3A_948 = arith.constant 0.000000e+00 : f32
      %add3A_949 = arith.addf %add3A_948, %convert_element_type3A_944 : f32
      %add3A_950 = arith.constant -1 : i32
      %add3A_951 = arith.addi %select_n3A_928, %add3A_950 : i32
      %ge3A_952 = arith.constant 2 : i32
      %ge3A_953 = arith.cmpi sge, %add3A_951, %ge3A_952 : i32
      %le3A_954 = arith.constant 61 : i32
      %le3A_955 = arith.cmpi sle, %add3A_951, %le3A_954 : i32
      %and3A_956 = arith.andi %ge3A_953, %le3A_955 : i1
      %convert_element_type3A_957 = arith.extui %and3A_956 : i1 to i32
      %convert_element_type3A_958 = arith.sitofp %convert_element_type3A_957 : i32 to f32
      %mul3A_959 = vector.broadcast %convert_element_type3A_958 : f32 to vector<16xf32>
      %mul3A_960 = arith.mulf %get3A_933, %mul3A_959 : vector<16xf32>
      %add3A_961 = arith.addf %add3A_947, %mul3A_960 : vector<16xf32>
      %add3A_962 = arith.addf %add3A_949, %convert_element_type3A_958 : f32
      %add3A_963 = arith.constant 0 : i32
      %add3A_964 = arith.addi %select_n3A_928, %add3A_963 : i32
      %ge3A_965 = arith.constant 2 : i32
      %ge3A_966 = arith.cmpi sge, %add3A_964, %ge3A_965 : i32
      %le3A_967 = arith.constant 61 : i32
      %le3A_968 = arith.cmpi sle, %add3A_964, %le3A_967 : i32
      %and3A_969 = arith.andi %ge3A_966, %le3A_968 : i1
      %convert_element_type3A_970 = arith.extui %and3A_969 : i1 to i32
      %convert_element_type3A_971 = arith.sitofp %convert_element_type3A_970 : i32 to f32
      %mul3A_972 = vector.broadcast %convert_element_type3A_971 : f32 to vector<16xf32>
      %mul3A_973 = arith.mulf %get3A_933, %mul3A_972 : vector<16xf32>
      %add3A_974 = arith.addf %add3A_961, %mul3A_973 : vector<16xf32>
      %add3A_975 = arith.addf %add3A_962, %convert_element_type3A_971 : f32
      %add3A_976 = arith.constant 1 : i32
      %add3A_977 = arith.addi %select_n3A_928, %add3A_976 : i32
      %ge3A_978 = arith.constant 2 : i32
      %ge3A_979 = arith.cmpi sge, %add3A_977, %ge3A_978 : i32
      %le3A_980 = arith.constant 61 : i32
      %le3A_981 = arith.cmpi sle, %add3A_977, %le3A_980 : i32
      %and3A_982 = arith.andi %ge3A_979, %le3A_981 : i1
      %convert_element_type3A_983 = arith.extui %and3A_982 : i1 to i32
      %convert_element_type3A_984 = arith.sitofp %convert_element_type3A_983 : i32 to f32
      %mul3A_985 = vector.broadcast %convert_element_type3A_984 : f32 to vector<16xf32>
      %mul3A_986 = arith.mulf %get3A_933, %mul3A_985 : vector<16xf32>
      %add3A_987 = arith.addf %add3A_974, %mul3A_986 : vector<16xf32>
      %add3A_988 = arith.addf %add3A_975, %convert_element_type3A_984 : f32
      %add3A_989 = arith.constant 2 : i32
      %add3A_990 = arith.addi %select_n3A_928, %add3A_989 : i32
      %ge3A_991 = arith.constant 2 : i32
      %ge3A_992 = arith.cmpi sge, %add3A_990, %ge3A_991 : i32
      %le3A_993 = arith.constant 61 : i32
      %le3A_994 = arith.cmpi sle, %add3A_990, %le3A_993 : i32
      %and3A_995 = arith.andi %ge3A_992, %le3A_994 : i1
      %convert_element_type3A_996 = arith.extui %and3A_995 : i1 to i32
      %convert_element_type3A_997 = arith.sitofp %convert_element_type3A_996 : i32 to f32
      %mul3A_998 = vector.broadcast %convert_element_type3A_997 : f32 to vector<16xf32>
      %mul3A_999 = arith.mulf %get3A_933, %mul3A_998 : vector<16xf32>
      %add3A_1000 = arith.addf %add3A_987, %mul3A_999 : vector<16xf32>
      %add3A_1001 = arith.addf %add3A_988, %convert_element_type3A_997 : f32
      %mul3A_1002 = arith.constant 5.000000e+00 : f32
      %mul3A_1003 = vector.broadcast %mul3A_1002 : f32 to vector<16xf32>
      %mul3A_1004 = arith.mulf %add3A_1000, %mul3A_1003 : vector<16xf32>
      %mul3A_1005 = arith.constant 5.000000e+00 : f32
      %mul3A_1006 = arith.mulf %add3A_1001, %mul3A_1005 : f32
      %div3A_1007 = vector.broadcast %mul3A_1006 : f32 to vector<16xf32>
      %div3A_1008 = arith.divf %mul3A_1004, %div3A_1007 : vector<16xf32>
      %mul3A_1009 = arith.constant 16 : i32
      %mul3A_1010 = arith.muli %scan3A_888, %mul3A_1009 : i32
      %swap3A_1011 = arith.index_cast %mul3A_1010 : i32 to index
      %swap3A_1012 = tpu.vector_load %arg4[%swap3A_1011] {strides = array<i32>} : memref<8192xf32, #tpu.memory_space<vmem>>, vector<16xf32>,
      %swap3A_1013 = vector.shape_cast %swap3A_1012 : vector<16xf32> to vector<16xf32>
      %swap3A_1014 = vector.shape_cast %div3A_1008 : vector<16xf32> to vector<16xf32>
      tpu.vector_store %arg4[%swap3A_1011], %swap3A_1014 {strides = array<i32>} : memref<8192xf32, #tpu.memory_space<vmem>>, vector<16xf32>,
    }
    %scan3A_7 = arith.constant 512 : i32
    "tpu.region"() ({
      %run_scoped3A = tpu.sem_alloc : memref<!tpu.dma_semaphore, #tpu.memory_space<semaphore_mem>>
      %dma_start3A = tpu.memref_slice %arg3[%mul3A_2] : memref<262144xf32, #tpu.memory_space<hbm>> -> memref<8192xf32, #tpu.memory_space<hbm>>
      %dma_start3A_8 = tpu.memref_slice %arg3[%mul3A_2] : memref<262144xf32, #tpu.memory_space<hbm>> -> memref<8192xf32, #tpu.memory_space<hbm>>
      tpu.enqueue_dma source(%arg4 : memref<8192xf32, #tpu.memory_space<vmem>>) target(%dma_start3A_8 : memref<8192xf32, #tpu.memory_space<hbm>>) target_semaphore(%run_scoped3A : memref<!tpu.dma_semaphore, #tpu.memory_space<semaphore_mem>>)
      %dma_wait3A = tpu.memref_slice %arg3[%mul3A_2] : memref<262144xf32, #tpu.memory_space<hbm>> -> memref<8192xf32, #tpu.memory_space<hbm>>
      %dma_wait3A_9 = tpu.memref_slice %arg3[%mul3A_2] : memref<262144xf32, #tpu.memory_space<hbm>> -> memref<8192xf32, #tpu.memory_space<hbm>>
      tpu.wait_dma2 semaphore(%run_scoped3A : memref<!tpu.dma_semaphore, #tpu.memory_space<semaphore_mem>>) src(%arg4 : memref<8192xf32, #tpu.memory_space<vmem>>) dst(%dma_wait3A_9 : memref<8192xf32, #tpu.memory_space<hbm>>)
      tpu.yield
    }) : () -> ()
    return
  }
}

module attributes {stable_mosaic.version = 14 : i64} {
  func.func @_tc_body(%arg0: i32, %arg1: memref<80x64x128xf32, #tpu.memory_space<vmem>>, %arg2: memref<80x64x128xf32, #tpu.memory_space<vmem>>) attributes {dimension_semantics = [#tpu.dimension_semantics<arbitrary>], iteration_bounds = array<i64: 2>, scalar_prefetch = 0 : i64, scratch_operands = 0 : i64, tpu.core_type = #tpu.core_type<tc>, window_params = [{transform_indices = @transform_0, window_bounds = array<i64: 80, 64, 128>}, {transform_indices = @transform_1, window_bounds = array<i64: 80, 64, 128>}]} {
    %get3A = arith.constant 0 : index
    %get3A_0 = arith.constant 0 : index
    %get3A_1 = arith.constant 0 : index
    %get3A_2 = vector.load %arg1[%get3A, %get3A_0, %get3A_1] : memref<80x64x128xf32, #tpu.memory_space<vmem>>, vector<80x64x128xf32>
    %iota3A = tpu.iota {dimensions = array<i32: 1>} : vector<1x64x1xi32>
    %broadcast_in_dim3A = arith.constant 0.000000e+00 : f32
    %broadcast_in_dim3A_3 = vector.broadcast %broadcast_in_dim3A : f32 to vector<80x64x128xf32>
    %broadcast_in_dim3A_4 = arith.constant 0.000000e+00 : f32
    %broadcast_in_dim3A_5 = vector.broadcast %broadcast_in_dim3A_4 : f32 to vector<1x64x1xf32>
    %add3A = arith.constant -2 : i32
    %add3A_6 = vector.broadcast %add3A : i32 to vector<1x64x1xi32>
    %add3A_7 = arith.addi %iota3A, %add3A_6 : vector<1x64x1xi32>
    %ge3A = arith.constant 2 : i32
    %ge3A_8 = vector.broadcast %ge3A : i32 to vector<1x64x1xi32>
    %ge3A_9 = arith.cmpi sge, %add3A_7, %ge3A_8 : vector<1x64x1xi32>
    %le3A = arith.constant 61 : i32
    %le3A_10 = vector.broadcast %le3A : i32 to vector<1x64x1xi32>
    %le3A_11 = arith.cmpi sle, %add3A_7, %le3A_10 : vector<1x64x1xi32>
    %and3A = arith.andi %ge3A_9, %le3A_11 : vector<1x64x1xi1>
    %jit3A = arith.constant 0.000000e+00 : f32
    %broadcast_in_dim3A_12 = vector.shape_cast %and3A : vector<1x64x1xi1> to vector<1x64x1xi1>
    %broadcast_in_dim3A_13 = vector.broadcast %broadcast_in_dim3A_12 : vector<1x64x1xi1> to vector<80x64x128xi1>
    %broadcast_in_dim3A_14 = vector.broadcast %jit3A : f32 to vector<80x64x128xf32>
    %select_n3A = arith.select %broadcast_in_dim3A_13, %get3A_2, %broadcast_in_dim3A_14 : vector<80x64x128xi1>, vector<80x64x128xf32>
    %add3A_15 = arith.addf %broadcast_in_dim3A_3, %select_n3A : vector<80x64x128xf32>
    %convert_element_type3A = arith.extui %and3A : vector<1x64x1xi1> to vector<1x64x1xi32>
    %convert_element_type3A_16 = arith.sitofp %convert_element_type3A : vector<1x64x1xi32> to vector<1x64x1xf32>
    %add3A_17 = arith.addf %broadcast_in_dim3A_5, %convert_element_type3A_16 : vector<1x64x1xf32>
    %add3A_18 = arith.constant -1 : i32
    %add3A_19 = vector.broadcast %add3A_18 : i32 to vector<1x64x1xi32>
    %add3A_20 = arith.addi %iota3A, %add3A_19 : vector<1x64x1xi32>
    %ge3A_21 = arith.constant 2 : i32
    %ge3A_22 = vector.broadcast %ge3A_21 : i32 to vector<1x64x1xi32>
    %ge3A_23 = arith.cmpi sge, %add3A_20, %ge3A_22 : vector<1x64x1xi32>
    %le3A_24 = arith.constant 61 : i32
    %le3A_25 = vector.broadcast %le3A_24 : i32 to vector<1x64x1xi32>
    %le3A_26 = arith.cmpi sle, %add3A_20, %le3A_25 : vector<1x64x1xi32>
    %and3A_27 = arith.andi %ge3A_23, %le3A_26 : vector<1x64x1xi1>
    %jit3A_28 = arith.constant 0.000000e+00 : f32
    %broadcast_in_dim3A_29 = vector.shape_cast %and3A_27 : vector<1x64x1xi1> to vector<1x64x1xi1>
    %broadcast_in_dim3A_30 = vector.broadcast %broadcast_in_dim3A_29 : vector<1x64x1xi1> to vector<80x64x128xi1>
    %broadcast_in_dim3A_31 = vector.broadcast %jit3A_28 : f32 to vector<80x64x128xf32>
    %select_n3A_32 = arith.select %broadcast_in_dim3A_30, %get3A_2, %broadcast_in_dim3A_31 : vector<80x64x128xi1>, vector<80x64x128xf32>
    %add3A_33 = arith.addf %add3A_15, %select_n3A_32 : vector<80x64x128xf32>
    %convert_element_type3A_34 = arith.extui %and3A_27 : vector<1x64x1xi1> to vector<1x64x1xi32>
    %convert_element_type3A_35 = arith.sitofp %convert_element_type3A_34 : vector<1x64x1xi32> to vector<1x64x1xf32>
    %add3A_36 = arith.addf %add3A_17, %convert_element_type3A_35 : vector<1x64x1xf32>
    %add3A_37 = arith.constant 0 : i32
    %add3A_38 = vector.broadcast %add3A_37 : i32 to vector<1x64x1xi32>
    %add3A_39 = arith.addi %iota3A, %add3A_38 : vector<1x64x1xi32>
    %ge3A_40 = arith.constant 2 : i32
    %ge3A_41 = vector.broadcast %ge3A_40 : i32 to vector<1x64x1xi32>
    %ge3A_42 = arith.cmpi sge, %add3A_39, %ge3A_41 : vector<1x64x1xi32>
    %le3A_43 = arith.constant 61 : i32
    %le3A_44 = vector.broadcast %le3A_43 : i32 to vector<1x64x1xi32>
    %le3A_45 = arith.cmpi sle, %add3A_39, %le3A_44 : vector<1x64x1xi32>
    %and3A_46 = arith.andi %ge3A_42, %le3A_45 : vector<1x64x1xi1>
    %jit3A_47 = arith.constant 0.000000e+00 : f32
    %broadcast_in_dim3A_48 = vector.shape_cast %and3A_46 : vector<1x64x1xi1> to vector<1x64x1xi1>
    %broadcast_in_dim3A_49 = vector.broadcast %broadcast_in_dim3A_48 : vector<1x64x1xi1> to vector<80x64x128xi1>
    %broadcast_in_dim3A_50 = vector.broadcast %jit3A_47 : f32 to vector<80x64x128xf32>
    %select_n3A_51 = arith.select %broadcast_in_dim3A_49, %get3A_2, %broadcast_in_dim3A_50 : vector<80x64x128xi1>, vector<80x64x128xf32>
    %add3A_52 = arith.addf %add3A_33, %select_n3A_51 : vector<80x64x128xf32>
    %convert_element_type3A_53 = arith.extui %and3A_46 : vector<1x64x1xi1> to vector<1x64x1xi32>
    %convert_element_type3A_54 = arith.sitofp %convert_element_type3A_53 : vector<1x64x1xi32> to vector<1x64x1xf32>
    %add3A_55 = arith.addf %add3A_36, %convert_element_type3A_54 : vector<1x64x1xf32>
    %add3A_56 = arith.constant 1 : i32
    %add3A_57 = vector.broadcast %add3A_56 : i32 to vector<1x64x1xi32>
    %add3A_58 = arith.addi %iota3A, %add3A_57 : vector<1x64x1xi32>
    %ge3A_59 = arith.constant 2 : i32
    %ge3A_60 = vector.broadcast %ge3A_59 : i32 to vector<1x64x1xi32>
    %ge3A_61 = arith.cmpi sge, %add3A_58, %ge3A_60 : vector<1x64x1xi32>
    %le3A_62 = arith.constant 61 : i32
    %le3A_63 = vector.broadcast %le3A_62 : i32 to vector<1x64x1xi32>
    %le3A_64 = arith.cmpi sle, %add3A_58, %le3A_63 : vector<1x64x1xi32>
    %and3A_65 = arith.andi %ge3A_61, %le3A_64 : vector<1x64x1xi1>
    %jit3A_66 = arith.constant 0.000000e+00 : f32
    %broadcast_in_dim3A_67 = vector.shape_cast %and3A_65 : vector<1x64x1xi1> to vector<1x64x1xi1>
    %broadcast_in_dim3A_68 = vector.broadcast %broadcast_in_dim3A_67 : vector<1x64x1xi1> to vector<80x64x128xi1>
    %broadcast_in_dim3A_69 = vector.broadcast %jit3A_66 : f32 to vector<80x64x128xf32>
    %select_n3A_70 = arith.select %broadcast_in_dim3A_68, %get3A_2, %broadcast_in_dim3A_69 : vector<80x64x128xi1>, vector<80x64x128xf32>
    %add3A_71 = arith.addf %add3A_52, %select_n3A_70 : vector<80x64x128xf32>
    %convert_element_type3A_72 = arith.extui %and3A_65 : vector<1x64x1xi1> to vector<1x64x1xi32>
    %convert_element_type3A_73 = arith.sitofp %convert_element_type3A_72 : vector<1x64x1xi32> to vector<1x64x1xf32>
    %add3A_74 = arith.addf %add3A_55, %convert_element_type3A_73 : vector<1x64x1xf32>
    %add3A_75 = arith.constant 2 : i32
    %add3A_76 = vector.broadcast %add3A_75 : i32 to vector<1x64x1xi32>
    %add3A_77 = arith.addi %iota3A, %add3A_76 : vector<1x64x1xi32>
    %ge3A_78 = arith.constant 2 : i32
    %ge3A_79 = vector.broadcast %ge3A_78 : i32 to vector<1x64x1xi32>
    %ge3A_80 = arith.cmpi sge, %add3A_77, %ge3A_79 : vector<1x64x1xi32>
    %le3A_81 = arith.constant 61 : i32
    %le3A_82 = vector.broadcast %le3A_81 : i32 to vector<1x64x1xi32>
    %le3A_83 = arith.cmpi sle, %add3A_77, %le3A_82 : vector<1x64x1xi32>
    %and3A_84 = arith.andi %ge3A_80, %le3A_83 : vector<1x64x1xi1>
    %jit3A_85 = arith.constant 0.000000e+00 : f32
    %broadcast_in_dim3A_86 = vector.shape_cast %and3A_84 : vector<1x64x1xi1> to vector<1x64x1xi1>
    %broadcast_in_dim3A_87 = vector.broadcast %broadcast_in_dim3A_86 : vector<1x64x1xi1> to vector<80x64x128xi1>
    %broadcast_in_dim3A_88 = vector.broadcast %jit3A_85 : f32 to vector<80x64x128xf32>
    %select_n3A_89 = arith.select %broadcast_in_dim3A_87, %get3A_2, %broadcast_in_dim3A_88 : vector<80x64x128xi1>, vector<80x64x128xf32>
    %add3A_90 = arith.addf %add3A_71, %select_n3A_89 : vector<80x64x128xf32>
    %convert_element_type3A_91 = arith.extui %and3A_84 : vector<1x64x1xi1> to vector<1x64x1xi32>
    %convert_element_type3A_92 = arith.sitofp %convert_element_type3A_91 : vector<1x64x1xi32> to vector<1x64x1xf32>
    %add3A_93 = arith.addf %add3A_74, %convert_element_type3A_92 : vector<1x64x1xf32>
    %mul3A = arith.constant 5.000000e+00 : f32
    %mul3A_94 = vector.broadcast %mul3A : f32 to vector<80x64x128xf32>
    %mul3A_95 = arith.mulf %add3A_90, %mul3A_94 : vector<80x64x128xf32>
    %mul3A_96 = arith.constant 5.000000e+00 : f32
    %mul3A_97 = vector.broadcast %mul3A_96 : f32 to vector<1x64x1xf32>
    %mul3A_98 = arith.mulf %add3A_93, %mul3A_97 : vector<1x64x1xf32>
    %div3A = vector.broadcast %mul3A_98 : vector<1x64x1xf32> to vector<80x64x128xf32>
    %div3A_99 = arith.divf %mul3A_95, %div3A : vector<80x64x128xf32>
    %swap3A = arith.constant 0 : index
    %swap3A_100 = arith.constant 0 : index
    %swap3A_101 = arith.constant 0 : index
    %swap3A_102 = vector.load %arg2[%swap3A, %swap3A_100, %swap3A_101] : memref<80x64x128xf32, #tpu.memory_space<vmem>>, vector<80x64x128xf32>
    tpu.vector_store %arg2[%swap3A, %swap3A_100, %swap3A_101], %div3A_99 {strides = array<i32>} : memref<80x64x128xf32, #tpu.memory_space<vmem>>, vector<80x64x128xf32>,
    return
  }
  func.func @transform_0(%arg0: i32) -> (i32, i32, i32) {
    %c0_i32 = arith.constant 0 : i32
    %c0_i32_0 = arith.constant 0 : i32
    %c0_i32_1 = arith.constant 0 : i32
    return %arg0, %c0_i32, %c0_i32_0 : i32, i32, i32
  }
  func.func @transform_1(%arg0: i32) -> (i32, i32, i32) {
    %c0_i32 = arith.constant 0 : i32
    %c0_i32_0 = arith.constant 0 : i32
    %c0_i32_1 = arith.constant 0 : i32
    return %arg0, %c0_i32, %c0_i32_0 : i32, i32, i32
  }
}

</mosaic_0001>

<sc_bundles>
// kernel: kernel.4.cloned.1.call-start
scs
__scs_entry_jumppad:
0x0: {  	(pc) =	sbr.rel $0x88, $3  }
0x1: {  	(tag) =	ssettag $0x0;
	lr =	simm.s32 $0x1  }
0x2: {  	[smem:$0x3FA0] =	sst lr;
	_ =	strace $0xD0000000  }
0x3: {  	_ = 	snop  }
0x4: {  	_ = 	snop  }
0x5: {  	_ = 	snop  }
0x6: {  	_ = 	snop  }
0x7: {  	_ = 	snop  }
__scs_overlays_trampoline_lowered:
0x8: {  	[smem:$0x3FAF] =	sst s0  }
0x9: {  	[smem:$0x3FB0] =	sst s1  }
0xa: {  	[smem:$0x3FB1] =	sst s2  }
0xb: {  	[smem:$0x3FB2] =	sst s3  }
0xc: {  	[smem:$0x3FB3] =	sst s4  }
0xd: {  	[smem:$0x3FB4] =	sst s5  }
0xe: {  	[smem:$0x3FB5] =	sst s6  }
0xf: {  	[smem:$0x3FB6] =	sst s7  }
0x10: {  	[smem:$0x3FB7] =	sst s8  }
0x11: {  	[smem:$0x3FB8] =	sst s9;
	s0 =	simm.s32 @!p0 $0x0  }
0x12: {  	s1 =	sld [smem:$0x3F9E];
	s0 =	simm.s32 @p0 $0x1  }
0x13: {  	[smem:$0x3FB9] =	sst s0;
	s0 =	simm.s32 @!p1 $0x0  }
0x14: {  	s2 =	sld [smem:$0x3F9D];
	s0 =	simm.s32 @p1 $0x1  }
0x15: {  	[smem:$0x3FBA] =	sst s0;
	s0 =	simm.s32 @!p2 $0x0  }
0x16: {  	s3 =	sld [smem:$0x3FDB];
	s0 =	simm.s32 @p2 $0x1  }
0x17: {  	s4 =	simm.s32 $0x1BF5;
	[smem:$0x3FBC] =	sst s0  }
0x18: {  	s0 =	sld [smem:$0x3F9F];
	_ =	swait.ge [sflag:s4], $0x0  }
0x19: {  	s7 =	sld [smem:$0x3FA0]  }
0x1a: {  	s8 =	sadd.s32 $0xFFFFE003, lr  }
0x1b: {  	s9 =	sadd.s32 $0xFFFFFEF7, lr;
	s5 =	simm.s32 $0xFFFFFFFF;
	p2 =	slt.u32 s8, $0xFFFFF086  }
0x1c: {  	p1 =	slt.u32 s9, $0xF7A;
	s5 =	simm.s32 @!p2 $0x0  }
0x1d: {  	s5 =	simm.s32 @p1 $0x1;
	p0 =	seq.s32 s7, s2  }
0x1e: {  	s7 =	smul.u32 @!p0 $0xF7A, s2;
	p2 =	seq.s32 @!p0 s5, $0x0  }
0x1f: {  	s9 =	smul.u32 $0xF7A, s1;
	s8 =	simm.s32 @!p0 $0x1BF5;
	p2 =	por !p2, p0  }
0x20: {  	[sflag:s8] =	ssyncset.s32 @!p0 $0xFFFFF086;
	s6 =	sadd.s32 @!p0 s3, s7;
	s7 =	simm.s32 @!p0 $0x108  }
0x21: {  	s3 =	sadd.s32 s3, s9;
	s6 =	sadd.s32 @!p0 $0x88, s6;
	s7 =	simm.s32 @p2 $0x1082  }
0x22: {  	[simem:s7], [sflag:s8] =	dma.local @!p0 [hbm:s6], $0xF7A  }
0x23: {  	s9 =	sor.u32 $0xD0000000, s2;
	s6 =	simm.s32 $0x108;
	_ =	swait.ge @!p0 [sflag:s8], $0x0  }
0x24: {  	s3 =	sadd.s32 $0x88, s3;
	s6 =	simm.s32 @!p1 $0x1082;
	[sflag:s4] =	ssyncset.s32 $0xFFFFF086  }
0x25: {  	[simem:s6], [sflag:s4] =	dma.local [hbm:s3], $0xF7A  }
0x26: {  	[smem:$0x3FA0] =	sst s1;
	(tag) =	ssettag s2;
	_ =	strace s9  }
0x27: {  	s1 =	sld [smem:$0x3FB0]  }
0x28: {  	s2 =	sld [smem:$0x3FB1]  }
0x29: {  	s4 =	sld [smem:$0x3FB3]  }
0x2a: {  	p0 =	seq.s32 s5, $0x0;
	s5 =	sld [smem:$0x3FB4]  }
0x2b: {  	s6 =	sld [smem:$0x3FB5]  }
0x2c: {  	s7 =	sld [smem:$0x3FB6]  }
0x2d: {  	s3 =	simm.s32 $0x108;
	s8 =	sld [smem:$0x3FB7]  }
0x2e: {  	s3 =	simm.s32 @!p0 $0x1082;
	s9 =	sld [smem:$0x3FB8]  }
0x2f: {  	lr =	sadd.s32 s0, s3;
	s0 =	sld [smem:$0x3FAF]  }
0x30: {  	s3 =	sld [smem:$0x3FB2]  }
0x31: {  	[smem:$0x3FBB] =	sst s10  }
0x32: {  	s10 =	sld [smem:$0x3FB9];
	_ =	sdelay $0x3  }
0x33: {  	p0 =	seq.s32 s10, $0x1;
	s10 =	sld [smem:$0x3FBB];
	_ =	sdelay $0x3  }
0x34: {  	[smem:$0x3FBB] =	sst s10  }
0x35: {  	s10 =	sld [smem:$0x3FBA];
	_ =	sdelay $0x3  }
0x36: {  	p1 =	seq.s32 s10, $0x1;
	s10 =	sld [smem:$0x3FBB];
	_ =	sdelay $0x3  }
0x37: {  	[smem:$0x3FBB] =	sst s10  }
0x38: {  	s10 =	sld [smem:$0x3FBC]  }
0x39: {  	_ = 	snop;
	(pc) =	sbr.ind lr, $3  }
0x3a: {  	_ = 	snop  }
0x3b: {  	_ = 	snop  }
0x3c: {  	p2 =	seq.s32 s10, $0x1;
	s10 =	sld [smem:$0x3FBB]  }
0x3d: {  	_ =	shalt  }
0x3e: {  	_ =	shalt  }
0x3f: {  	_ =	shalt  }
0x40: {  	_ =	shalt  }
0x41: {  	_ =	shalt  }
0x42: {  	_ =	shalt  }
0x43: {  	_ =	shalt  }
0x44: {  	_ =	shalt  }
0x45: {  	_ =	shalt  }
0x46: {  	_ =	shalt  }
0x47: {  	_ =	shalt  }
0x48: {  	_ =	shalt  }
0x49: {  	_ =	shalt  }
0x4a: {  	_ =	shalt  }
0x4b: {  	_ =	shalt  }
0x4c: {  	_ =	shalt  }
0x4d: {  	_ =	shalt  }
0x4e: {  	_ =	shalt  }
0x4f: {  	_ =	shalt  }
0x50: {  	_ =	shalt  }
0x51: {  	_ =	shalt  }
0x52: {  	_ =	shalt  }
0x53: {  	_ =	shalt  }
0x54: {  	_ =	shalt  }
0x55: {  	_ =	shalt  }
0x56: {  	_ =	shalt  }
0x57: {  	_ =	shalt  }
0x58: {  	_ =	shalt  }
0x59: {  	_ =	shalt  }
0x5a: {  	_ =	shalt  }
0x5b: {  	_ =	shalt  }
0x5c: {  	_ =	shalt  }
0x5d: {  	_ =	shalt  }
0x5e: {  	_ =	shalt  }
0x5f: {  	_ =	shalt  }
0x60: {  	_ =	shalt  }
0x61: {  	_ =	shalt  }
0x62: {  	_ =	shalt  }
0x63: {  	_ =	shalt  }
0x64: {  	_ =	shalt  }
0x65: {  	_ =	shalt  }
0x66: {  	_ =	shalt  }
0x67: {  	_ =	shalt  }
0x68: {  	_ =	shalt  }
0x69: {  	_ =	shalt  }
0x6a: {  	_ =	shalt  }
0x6b: {  	_ =	shalt  }
0x6c: {  	_ =	shalt  }
0x6d: {  	_ =	shalt  }
0x6e: {  	_ =	shalt  }
0x6f: {  	_ =	shalt  }
0x70: {  	_ =	shalt  }
0x71: {  	_ =	shalt  }
0x72: {  	_ =	shalt  }
0x73: {  	_ =	shalt  }
0x74: {  	_ =	shalt  }
0x75: {  	_ =	shalt  }
0x76: {  	_ =	shalt  }
0x77: {  	_ =	shalt  }
0x78: {  	_ =	shalt  }
0x79: {  	_ =	shalt  }
0x7a: {  	_ =	shalt  }
0x7b: {  	_ =	shalt  }
0x7c: {  	_ =	shalt  }
0x7d: {  	_ =	shalt  }
0x7e: {  	_ =	shalt  }
0x7f: {  	_ =	shalt  }
0x80: {  	_ =	shalt  }
0x81: {  	_ =	shalt  }
0x82: {  	_ =	shalt  }
0x83: {  	_ =	shalt  }
0x84: {  	_ =	shalt  }
0x85: {  	_ =	shalt  }
0x86: {  	_ =	shalt  }
0x87: {  	_ =	shalt  }
.Lfunc_end0:
.L_simem_size_0:
called_computation_lowered:
.L_overlay_start_0:
0x88: {  	s2 =	sld [smem:$0x3FD9]  }
0x89: {  	s3 =	sld [smem:$0x3FFE];
	_ =	sdelay $0x1  }
0x8a: {  	s1 =	srdreg.scid  }
0x8b: {  	s0 =	sand.u32 $0x1, s1  }
0x8c: {  	s17 =	sshll.u32 s0, $0xA;
	s2 =	sadd.s32 s3, s2  }
0x8d: {  	s2 =	sadd.s32 s2, s17  }
0x8e: {  	[smem:$0x3FC7] =	sst s2  }
0x8f: {  	_ = 	snop  }
0x90: {  	s2 =	sld [smem:$0x3FD0];
	(tm) =	ssettm $0x1  }
0x91: {  	s18 =	sld [smem:$0x3FFB];
	_ =	sdelay $0x3  }
0x92: {  	_ =	strace s18  }
0x93: {  	s3 =	sld [smem:$0x3FFC];
	_ =	sdelay $0x3  }
0x94: {  	_ =	strace s3  }
0x95: {  	s3 =	sld [smem:$0x3FFD];
	_ =	sdelay $0x3  }
0x96: {  	_ =	strace s3  }
0x97: {  	_ =	strace $0x8FFFFFFF  }
0x98: {  	s19 =	sld [smem:$0x3FDB];
	_ =	sdelay $0x1  }
0x99: {  	s4 =	simm.s32 $_scs_section_size  }
0x9a: {  	s5 =	simm.s32 $_size__tile_overlayer_lowered;
	s6 =	simm.s32 $_tile_overlayer_lowered  }
0x9b: {  	s22 =	simm.s32 $0x1BFF;
	s21 =	sshll.u32 s6, $0x1;
	s3 =	sadd.s32 s4, s19  }
0x9c: {  	s7 =	simm.s32 $0x0;
	s20 =	sshll.u32 s5, $0x1;
	s5 =	sadd.s32 s21, s3  }
0x9d: {  	[timem:s7], [sflag:s22] =	dma.local [hbm:s5], s20  }
0x9e: {  	_ =	swait.ge [sflag:s22], s20  }
0x9f: {  	s4 =	ssub.s32 $0x0, s20;
	[sflag:s22] =	ssyncset.done $0x0  }
0xa0: {  	[sflag:s22] =	ssyncadd.s32 s4;
	_ =	sdelay $0x1  }
0xa1: {  	s23 =	simm.s32 $0x1B8B  }
0xa2: {  	_ =	swait.ge [sflag:s23], $0x1  }
0xa3: {  	[sflag:s23] =	ssyncset.done $0x0  }
0xa4: {  	s25 =	simm.s32 $0x1B8E;
	s24 =	sld [smem:$0x3FFE];
	[sflag:s23] =	ssyncadd.s32 $0xFFFFFFFF  }
0xa5: {  	s26 =	simm.s32 $execute0_lowered;
	[smem:$0x3FD2] =	sst s25  }
0xa6: {  	s5 =	sshll.u32 s26, $0x1;
	_ =	strace $0x80000046;
	[dreg:$0x1] =	wrdreg $0xFFFFFFFF  }
0xa7: {  	s28 =	simm.s32 $_size_execute0_lowered;
	s3 =	sadd.s32 s3, s5;
	[dreg:$0x0] =	wrdreg $0x0  }
0xa8: {  	s5 =	sshll.u32 s28, $0x1;
	[dreg:$0x2] =	wrdreg s3  }
0xa9: {  	[dreg:$0x3] =	wrdreg s5  }
0xaa: {  	[dreg:$0x4] =	wrdreg $0xC0  }
0xab: {  	_ =	task [dreg:s7], $0x5FFFF  }
0xac: {  	[dreg:$0x1] =	wrdreg $0xFFFFFFFF  }
0xad: {  	[dreg:$0x0] =	wrdreg $0x60  }
0xae: {  	[dreg:$0x2] =	wrdreg s2  }
0xaf: {  	[dreg:$0x3] =	wrdreg s24  }
0xb0: {  	[dreg:$0x4] =	wrdreg $0x9  }
0xb1: {  	_ =	task.clear_ibuf [dreg:s7], $0x5FFFF;
	_ =	strace $0x90000046  }
0xb2: {  	s29 =	simm.s32 $0x9;
	_ =	strace $0x80000048  }
0xb3: {  	_ =	swait.ge [sflag:s29], $0x1  }
0xb4: {  	[sflag:s29] =	ssyncadd.s32 $0xFFFFFFFF  }
0xb5: {  	_ =	strace $0x90000048  }
0xb6: {  	_ =	sfence  }
0xb7: {  	s30 =	sld [smem:$0x0];
	_ =	sdelay $0x2  }
0xb8: {  	s31 =	sshll.u32 s1, $0xD;
	s1 =	sshrl.u32 s1, $0x2  }
0xb9: {  	s3 =	sand.u32 $0x4000, s31;
	s1 =	sadd.s32 s1, s30  }
0xba: {  	s0 =	sor.u32 s3, s0;
	s1 =	sshll.u32 s1, $0x11  }
0xbb: {  	s0 =	sor.u32 s1, s0  }
0xbc: {  	s0 =	sadd.s32 $0x8F2B, s0  }
0xbd: {  	[sflag:s0] =	ssyncadd.remote.s32 $0x1  }
0xbe: {  	_ =	sfence.sel $0xFFFF  }
0xbf: {  	[dreg:$0x0] =	wrdreg $0xFFFFFFFF;
	(pc) =	sbr.abs _section_cstart, $3  }
0xc0: {  	[dreg:$0x1] =	wrdreg $0xFFFFFFFF  }
0xc1: {  	_ =	task.clear_ibuf [dreg:s7], $0x2FFFF;
	_ =	strace $0x9FFFFFFF  }
0xc2: {  	(tm) =	ssettm $0x7FFFFFFF  }
0xc3: {  	_ =	shalt  }
tec
execute0_lowered:
.L_overlay_start_1:
0x0: {  	(tag) =	ssettag $0x1  }
0x1: {  	s3 =	rddreg [dreg:$0x0]  }
0x2: {  	s4 =	rddreg [dreg:$0x1];
	s2 =	srdreg.scid  }
0x3: {  	s0 =	rddreg [dreg:$0x2];
	s1 =	stileid.u32;
	s5 =	sand.u32 $0x1, s2  }
0x4: {  	s2 =	simm.s32 $0x0;
	s6 =	sshll.u32 s1, $0xB;
	s7 =	sshll.u32 s5, $0xA  }
0x5: {  	[smem:$0x7FF] =	sst s2;
	s5 =	ssub.s32 $0x2, s5;
	s6 =	sor.u32 s7, s6  }
0x6: {  	_ =	strace $0x80000047;
	s31 =	sshrl.u32 s5, $0x1;
	s7 =	simm.s32 $0x0  }
0x7: {  	s4 =	sadd.s32 s6, s4;
	s5 =	ssub.s32 s5, s31;
	s3 =	sadd.s32 s3, s6  }
0x8: {  	s6 =	simm.s32 $0x1;
	s4 =	sadd.s32 $0x600, s4;
	s5 =	smax.u32 s5, $0x1  }
.LBB2_1:
0x9: {  	[tilespmem:s2], [sflag:$0x1] =	stream.linear.gather [hbm4b:s3+s2], $0x2000, $0x38;
	[tilespmem:$0x2000] =	vst v63  }
0xa: {  	_ =	swait.ge [sflag:s6], $0x2000  }
0xb: {  	[sflag:s6] =	ssyncset.done $0x0  }
0xc: {  	s8 =	simm.s32 $0x40;
	[sflag:s6] =	ssyncadd.s32 $0xFFFFE000  }
0xd: {  	p0 =	por $0x0, $0x0;
	p1 =	por $0x1, $0x1;
	p2 =	por $0x0, $0x0;
	v0 =	vld [tilespmem:s8+$0xFFFFFFD0]  }
0xe: {  	s13 =	simm.f32 $1.000000000e+00;
	s11 =	simm.s32 $0x3F800000;
	p0 =	por !p0, !p1;
	v4 =	vld [tilespmem:s8+$0xFFFFFFF0]  }
0xf: {  	s12 =	simm.f32 $1.000000000e+00;
	s10 =	simm.f32 $1.000000000e+00;
	p0 =	por !p0, !p0  }
0x10: {  	s13 =	simm.s32 @!p2 $0x0;
	s11 =	simm.s32 @!p0 $0x0;
	p0 =	por $0x0, $0x0;
	v6 =	vld [tilespmem:s8+$0x30]  }
0x11: {  	s9 =	sadd.f32 s11, s13;
	s12 =	simm.s32 @!p0 $0x0;
	p0 =	por $0x0, $0x0;
	v9 =	vld [tilespmem:s8+$0xFFFFFFE0]  }
0x12: {  	v13 =	vld [tilespmem:s8+$0x0];
	s10 =	simm.s32 @!p0 $0x0;
	v1 =	vmul.f32 s13, v0  }
0x13: {  	p0 =	por $0x1, $0x1;
	s14 =	sadd.f32 s12, s9;
	s9 =	simm.f32 $1.000000000e+00;
	v2 =	vmul.f32 s11, v0;
	v7 =	vmul.f32 s11, v4  }
0x14: {  	s9 =	simm.s32 @!p0 $0x0;
	v3 =	vmul.f32 s12, v0;
	v10 =	vmul.f32 s10, v4  }
0x15: {  	s14 =	sadd.f32 s10, s14;
	v5 =	vmul.f32 s13, v4;
	v11 =	vmul.f32 s9, v4  }
0x16: {  	v14 =	vmul.f32 s10, v6;
	v8 =	vmul.f32 s13, v9  }
0x17: {  	v17 =	vmul.f32 s11, v6;
	v19 =	vmul.f32 s13, v13;
	s14 =	sadd.f32 s9, s14  }
0x18: {  	v21 =	vmul.f32 s12, v9;
	v22 =	vmul.f32 s11, v13;
	v1 =	vadd.f32 $0.0e+00, v1  }
0x19: {  	v12 =	vadd.f32 $0.0e+00, v5;
	v5 =	vmul.f32 s13, v6;
	v20 =	vadd.f32 $0.0e+00, v8;
	s14 =	smul.f32 $5.000000000e+00, s14  }
0x1a: {  	v8 =	vmul.f32 s10, v9;
	v19 =	vadd.f32 $0.0e+00, v19;
	v2 =	vadd.f32 v1, v2  }
0x1b: {  	v1 =	vld [tilespmem:s8+$0xFFFFFFC0];
	v5 =	vadd.f32 $0.0e+00, v5;
	v12 =	vadd.f32 v12, v7;
	v15 =	vmov s14  }
0x1c: {  	v2 =	vadd.f32 v2, v3;
	v3 =	vmul.f32 s10, v0;
	(erf) = vrcp.f32 v15  }
0x1d: {  	v15 =	vmul.f32 s12, v4;
	v4 =	vmul.f32 s12, v6;
	v17 =	vadd.f32 v5, v17  }
0x1e: {  	v19 =	vadd.f32 v19, v22;
	v0 =	vmul.f32 s9, v0;
	v6 =	vmul.f32 s9, v6  }
0x1f: {  	v17 =	vadd.f32 v17, v4;
	v4 =	vmul.f32 s9, v9;
	v9 =	vmul.f32 s11, v9  }
0x20: {  	v16 =	vadd.f32 v2, v3;
	v3 =	vld [tilespmem:s8+$0x10];
	v18 =	vmul.f32 s11, v1;
	v2 =	vmul.f32 s10, v1  }
0x21: {  	v12 =	vadd.f32 v12, v15;
	v5 =	vmul.f32 s12, v1;
	v62 =	vmul.f32 s13, v1  }
0x22: {  	v0 =	vadd.f32 v16, v0;
	v16 =	vld [tilespmem:s8+$0x20];
	v14 =	vadd.f32 v17, v14;
	v17 =	vmul.f32 s12, v13  }
0x23: {  	v10 =	vadd.f32 v12, v10;
	v12 =	vmul.f32 s10, v13;
	v20 =	vadd.f32 v20, v9  }
0x24: {  	v22 =	vadd.f32 $0.0e+00, v62;
	v25 =	vmul.f32 $5.000000000e+00, v0;
	v14 =	vadd.f32 v14, v6  }
0x25: {  	v11 =	vadd.f32 v10, v11;
	v10 =	vmul.f32 s9, v13;
	v23 =	vmul.f32 s11, v3  }
0x26: {  	v19 =	vadd.f32 v19, v17;
	v15 =	vmul.f32 s13, v3;
	v26 =	vmul.f32 $5.000000000e+00, v14  }
0x27: {  	v17 =	vadd.f32 v22, v18;
	v11 =	vmul.f32 $5.000000000e+00, v11;
	v24 =	vmul.f32 s13, v16;
	v0 =	vpop (erf)  }
0x28: {  	v18 =	vadd.f32 v20, v21;
	v7 =	vmul.f32 s12, v16;
	v25 =	vmul.f32 v25, v0  }
0x29: {  	v6 =	vmul.f32 s9, v16;
	v13 =	vadd.f32 $0.0e+00, v15;
	v63 =	vmul.f32 v26, v0  }
0x2a: {  	v15 =	vmul.f32 s11, v16;
	v9 =	vmul.f32 s10, v16;
	v16 =	vadd.f32 v19, v12;
	[tilespmem:s8+$0xFFFFFFD0] =	vst v25  }
0x2b: {  	s11 =	simm.s32 $0x0;
	s13 =	simm.s32 $0xC0;
	v14 =	vadd.f32 $0.0e+00, v24;
	v12 =	vadd.f32 v13, v23;
	v13 =	vmul.f32 s12, v3;
	s12 =	simm.s32 $0x0;
	[tilespmem:s8+$0x30] =	vst v63  }
.LBB2_2:
0x2c: {  	s14 =	sadd.s32 $0xFFFFFFFF, s12;
	s15 =	smov.u32 s11;
	s11 =	sadd.s32 $0x8, s11  }
0x2d: {  	v19 =	vld [tilespmem:s13+$0xFFFFFFD0];
	v1 =	vmul.f32 s9, v1;
	v8 =	vadd.f32 v18, v8;
	v14 =	vadd.f32 v14, v15;
	s16 =	simm.f32 $1.000000000e+00;
	p0 =	sgt.u32 s11, $0x10;
	p2 =	sne.s32 s15, $0x1F0  }
0x2e: {  	v5 =	vadd.f32 v17, v5;
	p1 =	slt.u32 s14, $0x3C;
	v15 =	vld [tilespmem:s13+$0xFFFFFFF0];
	v10 =	vadd.f32 v16, v10;
	v16 =	vmul.f32 s9, v3;
	p3 =	sgt.u32 s11, $0x18;
	s14 =	simm.s32 $0x3F800000  }
0x2f: {  	v3 =	vmul.f32 s10, v3;
	s9 =	simm.f32 $1.000000000e+00;
	p0 =	por !p0, !p2;
	p2 =	slt.u32 s11, $0x1E0;
	v4 =	vadd.f32 v8, v4;
	v7 =	vadd.f32 v14, v7  }
0x30: {  	s15 =	simm.f32 $1.000000000e+00;
	v2 =	vadd.f32 v5, v2;
	v5 =	vmul.f32 v11, v0;
	v8 =	vadd.f32 v12, v13;
	p4 =	por !p0, !p0;
	p0 =	slt.u32 s11, $0x1F8  }
0x31: {  	s10 =	simm.f32 $1.000000000e+00;
	s16 =	simm.s32 @!p3 $0x0;
	v10 =	vmul.f32 $5.000000000e+00, v10;
	s14 =	simm.s32 @!p4 $0x0;
	v4 =	vmul.f32 $5.000000000e+00, v4;
	v7 =	vadd.f32 v7, v9  }
0x32: {  	p3 =	slt.u32 s12, $0x3C;
	s9 =	simm.s32 @!p2 $0x0;
	v1 =	vadd.f32 v2, v1;
	v2 =	vadd.f32 v8, v3;
	s17 =	sadd.f32 s14, s16;
	v9 =	vmul.f32 s16, v19  }
0x33: {  	s15 =	simm.s32 @!p1 $0x0;
	s10 =	simm.s32 @!p3 $0x0;
	v11 =	vmul.f32 s14, v15;
	v12 =	vld [tilespmem:s13+$0x30];
	v3 =	vmul.f32 v4, v0;
	[tilespmem:s8+$0xFFFFFFF0] =	vst v5;
	v4 =	vadd.f32 v7, v6  }
0x34: {  	v6 =	vmul.f32 s14, v19;
	v1 =	vmul.f32 $5.000000000e+00, v1;
	s17 =	sadd.f32 s15, s17;
	v5 =	vadd.f32 $0.0e+00, v9  }
0x35: {  	v13 =	vmul.f32 s9, v15;
	v2 =	vadd.f32 v2, v16;
	v9 =	vmul.f32 s10, v15;
	[tilespmem:s8+$0xFFFFFFE0] =	vst v3  }
0x36: {  	v1 =	vmul.f32 v1, v0;
	s17 =	sadd.f32 s10, s17;
	v3 =	vadd.f32 v5, v6;
	v5 =	vmul.f32 s15, v19;
	v6 =	vld [tilespmem:s13+$0xFFFFFFE0]  }
0x37: {  	v7 =	vmul.f32 s16, v15;
	v2 =	vmul.f32 $5.000000000e+00, v2  }
0x38: {  	v8 =	vmul.f32 v10, v0;
	s17 =	sadd.f32 s9, s17;
	v3 =	vadd.f32 v3, v5;
	v5 =	vmul.f32 s10, v19;
	[tilespmem:s8+$0xFFFFFFC0] =	vst v1  }
0x39: {  	v7 =	vadd.f32 $0.0e+00, v7;
	v4 =	vmul.f32 $5.000000000e+00, v4;
	v10 =	vmul.f32 s16, v12;
	v1 =	vld [tilespmem:s13+$0xFFFFFFC0]  }
0x3a: {  	v14 =	vmul.f32 s10, v12;
	s17 =	smul.f32 $5.000000000e+00, s17;
	v3 =	vadd.f32 v3, v5;
	v5 =	vmul.f32 s9, v19;
	[tilespmem:s8+$0x0] =	vst v8  }
0x3b: {  	v2 =	vmul.f32 v2, v0;
	v10 =	vadd.f32 $0.0e+00, v10;
	v8 =	vmul.f32 s16, v6;
	v16 =	vld [tilespmem:s13+$0x0]  }
0x3c: {  	v0 =	vmul.f32 v4, v0;
	v17 =	vmov s17;
	v18 =	vadd.f32 v3, v5  }
0x3d: {  	v4 =	vmul.f32 s14, v12;
	v19 =	vadd.f32 $0.0e+00, v8;
	(erf) = vrcp.f32 v17;
	[tilespmem:s8+$0x10] =	vst v2  }
0x3e: {  	v17 =	vmul.f32 s14, v1;
	v2 =	vmul.f32 s10, v1;
	v3 =	vld [tilespmem:s13+$0x10];
	[tilespmem:s8+$0x20] =	vst v0;
	s8 =	smov.u32 s13  }
0x3f: {  	v4 =	vadd.f32 v10, v4;
	v10 =	vmul.f32 s15, v12;
	v0 =	vmul.f32 s15, v15;
	v20 =	vld [tilespmem:s13+$0x20]  }
0x40: {  	v5 =	vmul.f32 s15, v1;
	v15 =	vmul.f32 s16, v16  }
0x41: {  	v21 =	vmul.f32 s15, v6;
	v8 =	vmul.f32 s10, v6;
	v10 =	vadd.f32 v4, v10  }
0x42: {  	v12 =	vmul.f32 s9, v12;
	v4 =	vmul.f32 s9, v6  }
0x43: {  	v22 =	vmul.f32 s14, v16;
	v15 =	vadd.f32 $0.0e+00, v15;
	v23 =	vmul.f32 s14, v3  }
0x44: {  	v11 =	vadd.f32 v7, v11;
	v24 =	vmul.f32 s16, v20;
	v7 =	vmul.f32 s15, v20  }
0x45: {  	v18 =	vmul.f32 $5.000000000e+00, v18;
	v10 =	vadd.f32 v10, v14;
	v22 =	vadd.f32 v15, v22  }
0x46: {  	v11 =	vadd.f32 v11, v0;
	v25 =	vmul.f32 s15, v16;
	v14 =	vmul.f32 s16, v3;
	v0 =	vpop (erf)  }
0x47: {  	v10 =	vadd.f32 v10, v12;
	v15 =	vmul.f32 s16, v1;
	v18 =	vmul.f32 v18, v0  }
0x48: {  	v26 =	vmul.f32 s10, v16;
	v12 =	vmul.f32 s14, v6;
	v9 =	vadd.f32 v11, v9  }
0x49: {  	v6 =	vmul.f32 s9, v20;
	v11 =	vadd.f32 $0.0e+00, v15;
	[tilespmem:s13+$0xFFFFFFD0] =	vst v18;
	v18 =	vmul.f32 $5.000000000e+00, v10  }
.Ltmp0:
0x4a: {  	v13 =	vadd.f32 v9, v13;
	v27 =	vadd.f32 $0.0e+00, v14;
	v10 =	vmul.f32 s9, v16;
	(pc) =	sbr.rel @p0 .LBB2_2-.Ltmp0, $4  }
0x4b: {  	v12 =	vadd.f32 v19, v12;
	v14 =	vadd.f32 $0.0e+00, v24;
	v15 =	vmul.f32 s14, v20  }
0x4c: {  	v9 =	vmul.f32 s10, v20;
	v16 =	vadd.f32 v22, v25;
	v19 =	vmul.f32 v18, v0  }
0x4d: {  	v17 =	vadd.f32 v11, v17;
	v11 =	vmul.f32 $5.000000000e+00, v13;
	v18 =	vadd.f32 v12, v21  }
0x4e: {  	s12 =	sadd.s32 $0x1, s12;
	v13 =	vmul.f32 s15, v3;
	s13 =	sadd.s32 $0x80, s13;
	v16 =	vadd.f32 v16, v26;
	v12 =	vadd.f32 v27, v23;
	[tilespmem:s8+$0x30] =	vst v19  }
0x4f: {  	v5 =	vadd.f32 v17, v5  }
0x50: {  	v8 =	vadd.f32 v18, v8;
	v14 =	vadd.f32 v14, v15  }
0x51: {  	v53 =	vmul.f32 s10, v3;
	v54 =	vadd.f32 v12, v13;
	v57 =	vadd.f32 v16, v10  }
0x52: {  	v1 =	vmul.f32 s9, v1;
	v2 =	vadd.f32 v5, v2;
	v7 =	vadd.f32 v14, v7  }
0x53: {  	v55 =	vmul.f32 s9, v3;
	v4 =	vadd.f32 v8, v4;
	v56 =	vadd.f32 v54, v53  }
0x54: {  	v59 =	vmul.f32 $5.000000000e+00, v57;
	v1 =	vadd.f32 v2, v1;
	v7 =	vadd.f32 v7, v9  }
0x55: {  	v58 =	vmul.f32 v11, v0;
	v4 =	vmul.f32 $5.000000000e+00, v4;
	v2 =	vadd.f32 v56, v55  }
0x56: {  	v3 =	vmul.f32 v59, v0;
	v1 =	vmul.f32 $5.000000000e+00, v1;
	v60 =	vadd.f32 v7, v6  }
0x57: {  	[tilespmem:s8+$0xFFFFFFF0] =	vst v58;
	v4 =	vmul.f32 v4, v0;
	v2 =	vmul.f32 $5.000000000e+00, v2  }
0x58: {  	[tilespmem:s8+$0x0] =	vst v3;
	v1 =	vmul.f32 v1, v0;
	v61 =	vmul.f32 $5.000000000e+00, v60  }
0x59: {  	[tilespmem:s8+$0xFFFFFFE0] =	vst v4;
	v62 =	vmul.f32 v2, v0  }
0x5a: {  	s7 =	sadd.s32 $0x1, s7;
	[tilespmem:s8+$0xFFFFFFC0] =	vst v1;
	v63 =	vmul.f32 v61, v0  }
0x5b: {  	p0 =	sne.s32 s7, s5;
	[tilespmem:s8+$0x10] =	vst v62  }
.Ltmp1:
0x5c: {  	[tilespmem:s8+$0x20] =	vst v63;
	(pc) =	sbr.rel @p0 .LBB2_1-.Ltmp1, $4  }
0x5d: {  	[hbm4b:s4+s2] =	stream.linear.scatter [tilespmem:s2], [sflag:$0x1], $0x2000, $0x38;
	[tilespmem:$0x2000] =	vst v63  }
0x5e: {  	_ =	swait.ge [sflag:s6], $0x2000  }
0x5f: {  	[sflag:s6] =	ssyncset.done $0x0  }
0x60: {  	[sflag:s6] =	ssyncadd.s32 $0xFFFFE000  }
0x61: {  	_ =	sfence.sel $0x180000  }
0x62: {  	[bflag:$0x0] =	sbarrier.arrive $0xFFFF  }
0x63: {  	p0 =	sne.s32 s1, $0x0;
	_ =	strace $0x90000047  }
0x64: {  	s0 =	sadd.s32 @!p0 $0x100000, s0;
	[bflag:$0x2] =	sbarrier.arrive $0xFFFF  }
0x65: {  	[sflag:s0] =	ssyncadd.tile.s32 @!p0 $0x1;
	_ =	shalt  }
.Lfunc_end2:
_tile_overlayer_lowered:
.L_overlay_start_2:
0x66: {  	(tag) =	ssettag $0x2  }
0x67: {  	s0 =	rddreg [dreg:$0x0];
	s2 =	stileid.u32  }
0x68: {  	s1 =	rddreg [dreg:$0x1];
	p0 =	sne.s32 s2, $0x0  }
0x69: {  	s3 =	rddreg [dreg:$0x2];
	[bflag:$0x3] =	sbarrier.arrive $0xFFFF;
	s2 =	simm.s32 @!p0 $0x1C01  }
0x6a: {  	[timem:s3], [sflag:s2] =	dma.local @!p0 [hbm:s0], s1  }
0x6b: {  	s0 =	simm.s32 @!p0 $0x1  }
0x6c: {  	_ =	swait.ge @!p0 [sflag:s0], s1  }
0x6d: {  	s1 =	ssub.s32 @!p0 $0x0, s1;
	[sflag:s0] =	ssyncset.done @!p0 $0x0  }
0x6e: {  	[sflag:s0] =	ssyncadd.s32 @!p0 s1  }
0x6f: {  	[bflag:$0x3] =	sbarrier.arrive $0xFFFF  }
0x70: {  	_ =	shalt  }

</sc_bundles>
